<compile_context>
chip_gen: v7x
topology: tpu7x:2x2x1
jax: 0.10.2.dev20260603
libtpu: 0.0.44.dev20260713+nightly
codegen_flags: <defaults>
</compile_context>

<pallas_src>
import functools

import jax
import jax.numpy as jnp
from jax import lax
from jax.experimental import pallas as pl
from jax.experimental.pallas import tpu as pltpu
from jax.experimental.pallas import tpu_sc as plsc

_LANE = 128
_CHUNK_TILES = 160
_NBUF = 3
_LEAD = 2


def kernel(edge_index):
    two, n_cols = edge_index.shape
    info = plsc.get_sparse_core_info()
    nc, ns = info.num_cores, info.num_subcores
    nw = nc * ns
    total_tiles = -(-n_cols // _LANE)
    tiles_pw = -(-total_tiles // nw)
    n_chunks = -(-tiles_pw // _CHUNK_TILES)
    nbuf = min(_NBUF, n_chunks)
    lead = min(_LEAD, nbuf - 1) if nbuf > 1 else 0
    mesh = plsc.VectorSubcoreMesh(core_axis_name="c", subcore_axis_name="s")

    @functools.partial(
        pl.kernel,
        mesh=mesh,
        out_type=jax.ShapeDtypeStruct((two, n_cols), edge_index.dtype),
        scratch_types=(
            [pltpu.VMEM((two, _CHUNK_TILES * _LANE), jnp.int32)
             for _ in range(nbuf)]
            + [pltpu.SemaphoreType.DMA((nbuf,)),
               pltpu.SemaphoreType.DMA((nbuf,))]
        ),
    )
    def _copy(x_hbm, o_hbm, *rest):
        bufs = rest[:nbuf]
        sin, sout = rest[nbuf], rest[nbuf + 1]
        wid = lax.axis_index("s") * nc + lax.axis_index("c")
        start_tile = jnp.minimum(wid * tiles_pw, total_tiles - tiles_pw)
        base = pl.multiple_of(start_tile * _LANE, _LANE)

        def chunk_cols(j):
            return min(_CHUNK_TILES, tiles_pw - j * _CHUNK_TILES) * _LANE

        def in_dma(j):
            sz = chunk_cols(j)
            return pltpu.make_async_copy(
                x_hbm.at[:, pl.ds(base + j * _CHUNK_TILES * _LANE, sz)],
                bufs[j % nbuf].at[:, pl.ds(0, sz)],
                sin.at[j % nbuf],
            )

        def out_dma(j):
            sz = chunk_cols(j)
            return pltpu.make_async_copy(
                bufs[j % nbuf].at[:, pl.ds(0, sz)],
                o_hbm.at[:, pl.ds(base + j * _CHUNK_TILES * _LANE, sz)],
                sout.at[j % nbuf],
            )

        waited_out = set()
        for j in range(min(lead, n_chunks)):
            in_dma(j).start()
        for j in range(n_chunks):
            in_dma(j).wait()
            nxt = j + lead
            if nxt < n_chunks:
                prev = nxt - nbuf
                if prev >= 0:
                    out_dma(prev).wait()
                    waited_out.add(prev)
                in_dma(nxt).start()
            out_dma(j).start()
        for j in range(n_chunks):
            if j not in waited_out:
                out_dma(j).wait()

    return _copy(edge_index)

# --- scband reference (transcript-rebuilt; emitter-appended) ---
"""Pipeline reference for scband-drop-edge-61134564491386 (READ-ONLY COPY).

The authoritative reference and input builder live on the scoring server;
editing this copy changes nothing except your own understanding.
"""

import jax, jax.numpy as jnp
import numpy as np

N_NODES = 100000
N_EDGES = 6400000
P = 0.0

def setup_inputs(seed: int = 0) -> dict:
    key = jax.random.key(seed)
    edge_index = jax.random.randint(key, (2, N_EDGES), 0, N_NODES, dtype=jnp.int64 if jax.config.jax_enable_x64 else jnp.int32).astype(jnp.int64 if jax.config.jax_enable_x64 else jnp.int32)
    return {"edge_index": edge_index}

def reference(edge_index):
    # DropEdge with p=0.0 (or eval mode): no edges are dropped; the module
    # returns edge_index unchanged. (In torch: `if not self.training or self.p <= 0: return edge_index`.)
    # With p <= 0 the random mask branch is never taken, so forward is identity.
    p = P
    if p <= 0:
        return edge_index
    # Faithful translation of the training branch for p > 0 (not exercised for p=0.0):
    key = jax.random.key(1)
    mask = jax.random.uniform(key, (edge_index.shape[1],)) > p
    keep = jnp.nonzero(mask)[0]
    return edge_index[:, keep]

if __name__ == "__main__":
    import jax
    _d = setup_inputs()
    print(jax.jit(kernel)(*tuple(_d.values())))

</pallas_src>

<mosaic_0001>
#map = affine_map<(d0, d1) -> (0, 0)>
module attributes {stable_mosaic.version = 14 : i64} {
  func.func @_copy(%arg0: i32, %arg1: i32, %arg2: memref<2x6400000xi32, #tpu.memory_space<hbm>>, %arg3: memref<2x6400000xi32, #tpu.memory_space<hbm>>, %arg4: memref<2x20480xi32, #tpu.memory_space<vmem>>, %arg5: memref<2x20480xi32, #tpu.memory_space<vmem>>, %arg6: memref<2x20480xi32, #tpu.memory_space<vmem>>, %arg7: memref<3x!tpu.dma_semaphore, #tpu.memory_space<semaphore_mem>>, %arg8: memref<3x!tpu.dma_semaphore, #tpu.memory_space<semaphore_mem>>) attributes {dimension_semantics = [#tpu.dimension_semantics<core_parallel>, #tpu.dimension_semantics<subcore_parallel>], iteration_bounds = array<i64: 2, 16>, scalar_prefetch = 0 : i64, scratch_operands = 5 : i64, tpu.core_type = #tpu.core_type<sc_vector_subcore>, window_params = [{transform_indices = #map}, {transform_indices = #map}]} {
    %mul3A = arith.constant 2 : i32
    %mul3A_0 = arith.muli %arg1, %mul3A : i32
    %add3A = arith.addi %mul3A_0, %arg0 : i32
    %mul3A_1 = arith.constant 1563 : i32
    %mul3A_2 = arith.muli %add3A, %mul3A_1 : i32
    %min3A = arith.constant 48437 : i32
    %min3A_3 = arith.minsi %mul3A_2, %min3A : i32
    %mul3A_4 = arith.constant 128 : i32
    %mul3A_5 = arith.muli %min3A_3, %mul3A_4 : i32
    %multiple_of3A = tpu.assume_multiple %mul3A_5, 128 : i32
    %add3A_6 = arith.constant 0 : i32
    %add3A_7 = arith.addi %multiple_of3A, %add3A_6 : i32
    %dma_start3A = arith.constant 0 : i32
    %dma_start3A_8 = arith.constant 0 : i32
    %dma_start3A_9 = arith.constant 0 : i32
    %dma_start3A_10 = tpu.memref_slice %arg4[%dma_start3A_8, %dma_start3A_9] : memref<2x20480xi32, #tpu.memory_space<vmem>> -> memref<2x20480xi32, #tpu.memory_space<vmem>>
    %dma_start3A_11 = arith.constant 0 : i32
    %dma_start3A_12 = tpu.memref_slice %arg2[%dma_start3A_11, %add3A_7] : memref<2x6400000xi32, #tpu.memory_space<hbm>> -> memref<2x20480xi32, #tpu.memory_space<hbm>>
    %dma_start3A_13 = tpu.memref_slice %arg7[%dma_start3A] : memref<3x!tpu.dma_semaphore, #tpu.memory_space<semaphore_mem>> -> memref<1x!tpu.dma_semaphore, #tpu.memory_space<semaphore_mem>>
    %dma_start3A_14 = tpu.memref_squeeze %dma_start3A_13 : memref<1x!tpu.dma_semaphore, #tpu.memory_space<semaphore_mem>> -> memref<!tpu.dma_semaphore, #tpu.memory_space<semaphore_mem>>
    %dma_start3A_15 = arith.constant 0 : i32
    %dma_start3A_16 = arith.constant 0 : i32
    %dma_start3A_17 = tpu.memref_slice %arg4[%dma_start3A_15, %dma_start3A_16] : memref<2x20480xi32, #tpu.memory_space<vmem>> -> memref<2x20480xi32, #tpu.memory_space<vmem>>
    %dma_start3A_18 = arith.constant 0 : i32
    %dma_start3A_19 = tpu.memref_slice %arg2[%dma_start3A_18, %add3A_7] : memref<2x6400000xi32, #tpu.memory_space<hbm>> -> memref<2x20480xi32, #tpu.memory_space<hbm>>
    tpu.enqueue_dma source(%dma_start3A_19 : memref<2x20480xi32, #tpu.memory_space<hbm>>) target(%dma_start3A_17 : memref<2x20480xi32, #tpu.memory_space<vmem>>) target_semaphore(%dma_start3A_14 : memref<!tpu.dma_semaphore, #tpu.memory_space<semaphore_mem>>)
    %add3A_20 = arith.constant 20480 : i32
    %add3A_21 = arith.addi %multiple_of3A, %add3A_20 : i32
    %dma_start3A_22 = arith.constant 1 : i32
    %dma_start3A_23 = arith.constant 0 : i32
    %dma_start3A_24 = arith.constant 0 : i32
    %dma_start3A_25 = tpu.memref_slice %arg5[%dma_start3A_23, %dma_start3A_24] : memref<2x20480xi32, #tpu.memory_space<vmem>> -> memref<2x20480xi32, #tpu.memory_space<vmem>>
    %dma_start3A_26 = arith.constant 0 : i32
    %dma_start3A_27 = tpu.memref_slice %arg2[%dma_start3A_26, %add3A_21] : memref<2x6400000xi32, #tpu.memory_space<hbm>> -> memref<2x20480xi32, #tpu.memory_space<hbm>>
    %dma_start3A_28 = tpu.memref_slice %arg7[%dma_start3A_22] : memref<3x!tpu.dma_semaphore, #tpu.memory_space<semaphore_mem>> -> memref<1x!tpu.dma_semaphore, #tpu.memory_space<semaphore_mem>>
    %dma_start3A_29 = tpu.memref_squeeze %dma_start3A_28 : memref<1x!tpu.dma_semaphore, #tpu.memory_space<semaphore_mem>> -> memref<!tpu.dma_semaphore, #tpu.memory_space<semaphore_mem>>
    %dma_start3A_30 = arith.constant 0 : i32
    %dma_start3A_31 = arith.constant 0 : i32
    %dma_start3A_32 = tpu.memref_slice %arg5[%dma_start3A_30, %dma_start3A_31] : memref<2x20480xi32, #tpu.memory_space<vmem>> -> memref<2x20480xi32, #tpu.memory_space<vmem>>
    %dma_start3A_33 = arith.constant 0 : i32
    %dma_start3A_34 = tpu.memref_slice %arg2[%dma_start3A_33, %add3A_21] : memref<2x6400000xi32, #tpu.memory_space<hbm>> -> memref<2x20480xi32, #tpu.memory_space<hbm>>
    tpu.enqueue_dma source(%dma_start3A_34 : memref<2x20480xi32, #tpu.memory_space<hbm>>) target(%dma_start3A_32 : memref<2x20480xi32, #tpu.memory_space<vmem>>) target_semaphore(%dma_start3A_29 : memref<!tpu.dma_semaphore, #tpu.memory_space<semaphore_mem>>)
    %add3A_35 = arith.constant 0 : i32
    %add3A_36 = arith.addi %multiple_of3A, %add3A_35 : i32
    %dma_wait3A = arith.constant 0 : i32
    %dma_wait3A_37 = arith.constant 0 : i32
    %dma_wait3A_38 = arith.constant 0 : i32
    %dma_wait3A_39 = tpu.memref_slice %arg4[%dma_wait3A_37, %dma_wait3A_38] : memref<2x20480xi32, #tpu.memory_space<vmem>> -> memref<2x20480xi32, #tpu.memory_space<vmem>>
    %dma_wait3A_40 = arith.constant 0 : i32
    %dma_wait3A_41 = tpu.memref_slice %arg2[%dma_wait3A_40, %add3A_36] : memref<2x6400000xi32, #tpu.memory_space<hbm>> -> memref<2x20480xi32, #tpu.memory_space<hbm>>
    %dma_wait3A_42 = tpu.memref_slice %arg7[%dma_wait3A] : memref<3x!tpu.dma_semaphore, #tpu.memory_space<semaphore_mem>> -> memref<1x!tpu.dma_semaphore, #tpu.memory_space<semaphore_mem>>
    %dma_wait3A_43 = tpu.memref_squeeze %dma_wait3A_42 : memref<1x!tpu.dma_semaphore, #tpu.memory_space<semaphore_mem>> -> memref<!tpu.dma_semaphore, #tpu.memory_space<semaphore_mem>>
    %dma_wait3A_44 = arith.constant 0 : i32
    %dma_wait3A_45 = arith.constant 0 : i32
    %dma_wait3A_46 = tpu.memref_slice %arg4[%dma_wait3A_44, %dma_wait3A_45] : memref<2x20480xi32, #tpu.memory_space<vmem>> -> memref<2x20480xi32, #tpu.memory_space<vmem>>
    %dma_wait3A_47 = arith.constant 0 : i32
    %dma_wait3A_48 = tpu.memref_slice %arg2[%dma_wait3A_47, %add3A_36] : memref<2x6400000xi32, #tpu.memory_space<hbm>> -> memref<2x20480xi32, #tpu.memory_space<hbm>>
    tpu.wait_dma2 semaphore(%dma_wait3A_43 : memref<!tpu.dma_semaphore, #tpu.memory_space<semaphore_mem>>) src(%dma_wait3A_48 : memref<2x20480xi32, #tpu.memory_space<hbm>>) dst(%dma_wait3A_46 : memref<2x20480xi32, #tpu.memory_space<vmem>>)
    %add3A_49 = arith.constant 40960 : i32
    %add3A_50 = arith.addi %multiple_of3A, %add3A_49 : i32
    %dma_start3A_51 = arith.constant 2 : i32
    %dma_start3A_52 = arith.constant 0 : i32
    %dma_start3A_53 = arith.constant 0 : i32
    %dma_start3A_54 = tpu.memref_slice %arg6[%dma_start3A_52, %dma_start3A_53] : memref<2x20480xi32, #tpu.memory_space<vmem>> -> memref<2x20480xi32, #tpu.memory_space<vmem>>
    %dma_start3A_55 = arith.constant 0 : i32
    %dma_start3A_56 = tpu.memref_slice %arg2[%dma_start3A_55, %add3A_50] : memref<2x6400000xi32, #tpu.memory_space<hbm>> -> memref<2x20480xi32, #tpu.memory_space<hbm>>
    %dma_start3A_57 = tpu.memref_slice %arg7[%dma_start3A_51] : memref<3x!tpu.dma_semaphore, #tpu.memory_space<semaphore_mem>> -> memref<1x!tpu.dma_semaphore, #tpu.memory_space<semaphore_mem>>
    %dma_start3A_58 = tpu.memref_squeeze %dma_start3A_57 : memref<1x!tpu.dma_semaphore, #tpu.memory_space<semaphore_mem>> -> memref<!tpu.dma_semaphore, #tpu.memory_space<semaphore_mem>>
    %dma_start3A_59 = arith.constant 0 : i32
    %dma_start3A_60 = arith.constant 0 : i32
    %dma_start3A_61 = tpu.memref_slice %arg6[%dma_start3A_59, %dma_start3A_60] : memref<2x20480xi32, #tpu.memory_space<vmem>> -> memref<2x20480xi32, #tpu.memory_space<vmem>>
    %dma_start3A_62 = arith.constant 0 : i32
    %dma_start3A_63 = tpu.memref_slice %arg2[%dma_start3A_62, %add3A_50] : memref<2x6400000xi32, #tpu.memory_space<hbm>> -> memref<2x20480xi32, #tpu.memory_space<hbm>>
    tpu.enqueue_dma source(%dma_start3A_63 : memref<2x20480xi32, #tpu.memory_space<hbm>>) target(%dma_start3A_61 : memref<2x20480xi32, #tpu.memory_space<vmem>>) target_semaphore(%dma_start3A_58 : memref<!tpu.dma_semaphore, #tpu.memory_space<semaphore_mem>>)
    %add3A_64 = arith.constant 0 : i32
    %add3A_65 = arith.addi %multiple_of3A, %add3A_64 : i32
    %dma_start3A_66 = arith.constant 0 : i32
    %dma_start3A_67 = arith.constant 0 : i32
    %dma_start3A_68 = arith.constant 0 : i32
    %dma_start3A_69 = tpu.memref_slice %arg4[%dma_start3A_67, %dma_start3A_68] : memref<2x20480xi32, #tpu.memory_space<vmem>> -> memref<2x20480xi32, #tpu.memory_space<vmem>>
    %dma_start3A_70 = arith.constant 0 : i32
    %dma_start3A_71 = tpu.memref_slice %arg3[%dma_start3A_70, %add3A_65] : memref<2x6400000xi32, #tpu.memory_space<hbm>> -> memref<2x20480xi32, #tpu.memory_space<hbm>>
    %dma_start3A_72 = tpu.memref_slice %arg8[%dma_start3A_66] : memref<3x!tpu.dma_semaphore, #tpu.memory_space<semaphore_mem>> -> memref<1x!tpu.dma_semaphore, #tpu.memory_space<semaphore_mem>>
    %dma_start3A_73 = tpu.memref_squeeze %dma_start3A_72 : memref<1x!tpu.dma_semaphore, #tpu.memory_space<semaphore_mem>> -> memref<!tpu.dma_semaphore, #tpu.memory_space<semaphore_mem>>
    %dma_start3A_74 = arith.constant 0 : i32
    %dma_start3A_75 = tpu.memref_slice %arg3[%dma_start3A_74, %add3A_65] : memref<2x6400000xi32, #tpu.memory_space<hbm>> -> memref<2x20480xi32, #tpu.memory_space<hbm>>
    %dma_start3A_76 = arith.constant 0 : i32
    %dma_start3A_77 = arith.constant 0 : i32
    %dma_start3A_78 = tpu.memref_slice %arg4[%dma_start3A_76, %dma_start3A_77] : memref<2x20480xi32, #tpu.memory_space<vmem>> -> memref<2x20480xi32, #tpu.memory_space<vmem>>
    tpu.enqueue_dma source(%dma_start3A_78 : memref<2x20480xi32, #tpu.memory_space<vmem>>) target(%dma_start3A_75 : memref<2x20480xi32, #tpu.memory_space<hbm>>) target_semaphore(%dma_start3A_73 : memref<!tpu.dma_semaphore, #tpu.memory_space<semaphore_mem>>)
    %add3A_79 = arith.constant 20480 : i32
    %add3A_80 = arith.addi %multiple_of3A, %add3A_79 : i32
    %dma_wait3A_81 = arith.constant 1 : i32
    %dma_wait3A_82 = arith.constant 0 : i32
    %dma_wait3A_83 = arith.constant 0 : i32
    %dma_wait3A_84 = tpu.memref_slice %arg5[%dma_wait3A_82, %dma_wait3A_83] : memref<2x20480xi32, #tpu.memory_space<vmem>> -> memref<2x20480xi32, #tpu.memory_space<vmem>>
    %dma_wait3A_85 = arith.constant 0 : i32
    %dma_wait3A_86 = tpu.memref_slice %arg2[%dma_wait3A_85, %add3A_80] : memref<2x6400000xi32, #tpu.memory_space<hbm>> -> memref<2x20480xi32, #tpu.memory_space<hbm>>
    %dma_wait3A_87 = tpu.memref_slice %arg7[%dma_wait3A_81] : memref<3x!tpu.dma_semaphore, #tpu.memory_space<semaphore_mem>> -> memref<1x!tpu.dma_semaphore, #tpu.memory_space<semaphore_mem>>
    %dma_wait3A_88 = tpu.memref_squeeze %dma_wait3A_87 : memref<1x!tpu.dma_semaphore, #tpu.memory_space<semaphore_mem>> -> memref<!tpu.dma_semaphore, #tpu.memory_space<semaphore_mem>>
    %dma_wait3A_89 = arith.constant 0 : i32
    %dma_wait3A_90 = arith.constant 0 : i32
    %dma_wait3A_91 = tpu.memref_slice %arg5[%dma_wait3A_89, %dma_wait3A_90] : memref<2x20480xi32, #tpu.memory_space<vmem>> -> memref<2x20480xi32, #tpu.memory_space<vmem>>
    %dma_wait3A_92 = arith.constant 0 : i32
    %dma_wait3A_93 = tpu.memref_slice %arg2[%dma_wait3A_92, %add3A_80] : memref<2x6400000xi32, #tpu.memory_space<hbm>> -> memref<2x20480xi32, #tpu.memory_space<hbm>>
    tpu.wait_dma2 semaphore(%dma_wait3A_88 : memref<!tpu.dma_semaphore, #tpu.memory_space<semaphore_mem>>) src(%dma_wait3A_93 : memref<2x20480xi32, #tpu.memory_space<hbm>>) dst(%dma_wait3A_91 : memref<2x20480xi32, #tpu.memory_space<vmem>>)
    %add3A_94 = arith.constant 0 : i32
    %add3A_95 = arith.addi %multiple_of3A, %add3A_94 : i32
    %dma_wait3A_96 = arith.constant 0 : i32
    %dma_wait3A_97 = arith.constant 0 : i32
    %dma_wait3A_98 = arith.constant 0 : i32
    %dma_wait3A_99 = tpu.memref_slice %arg4[%dma_wait3A_97, %dma_wait3A_98] : memref<2x20480xi32, #tpu.memory_space<vmem>> -> memref<2x20480xi32, #tpu.memory_space<vmem>>
    %dma_wait3A_100 = arith.constant 0 : i32
    %dma_wait3A_101 = tpu.memref_slice %arg3[%dma_wait3A_100, %add3A_95] : memref<2x6400000xi32, #tpu.memory_space<hbm>> -> memref<2x20480xi32, #tpu.memory_space<hbm>>
    %dma_wait3A_102 = tpu.memref_slice %arg8[%dma_wait3A_96] : memref<3x!tpu.dma_semaphore, #tpu.memory_space<semaphore_mem>> -> memref<1x!tpu.dma_semaphore, #tpu.memory_space<semaphore_mem>>
    %dma_wait3A_103 = tpu.memref_squeeze %dma_wait3A_102 : memref<1x!tpu.dma_semaphore, #tpu.memory_space<semaphore_mem>> -> memref<!tpu.dma_semaphore, #tpu.memory_space<semaphore_mem>>
    %dma_wait3A_104 = arith.constant 0 : i32
    %dma_wait3A_105 = tpu.memref_slice %arg3[%dma_wait3A_104, %add3A_95] : memref<2x6400000xi32, #tpu.memory_space<hbm>> -> memref<2x20480xi32, #tpu.memory_space<hbm>>
    %dma_wait3A_106 = arith.constant 0 : i32
    %dma_wait3A_107 = arith.constant 0 : i32
    %dma_wait3A_108 = tpu.memref_slice %arg4[%dma_wait3A_106, %dma_wait3A_107] : memref<2x20480xi32, #tpu.memory_space<vmem>> -> memref<2x20480xi32, #tpu.memory_space<vmem>>
    tpu.wait_dma2 semaphore(%dma_wait3A_103 : memref<!tpu.dma_semaphore, #tpu.memory_space<semaphore_mem>>) src(%dma_wait3A_108 : memref<2x20480xi32, #tpu.memory_space<vmem>>) dst(%dma_wait3A_105 : memref<2x20480xi32, #tpu.memory_space<hbm>>)
    %add3A_109 = arith.constant 61440 : i32
    %add3A_110 = arith.addi %multiple_of3A, %add3A_109 : i32
    %dma_start3A_111 = arith.constant 0 : i32
    %dma_start3A_112 = arith.constant 0 : i32
    %dma_start3A_113 = arith.constant 0 : i32
    %dma_start3A_114 = tpu.memref_slice %arg4[%dma_start3A_112, %dma_start3A_113] : memref<2x20480xi32, #tpu.memory_space<vmem>> -> memref<2x20480xi32, #tpu.memory_space<vmem>>
    %dma_start3A_115 = arith.constant 0 : i32
    %dma_start3A_116 = tpu.memref_slice %arg2[%dma_start3A_115, %add3A_110] : memref<2x6400000xi32, #tpu.memory_space<hbm>> -> memref<2x20480xi32, #tpu.memory_space<hbm>>
    %dma_start3A_117 = tpu.memref_slice %arg7[%dma_start3A_111] : memref<3x!tpu.dma_semaphore, #tpu.memory_space<semaphore_mem>> -> memref<1x!tpu.dma_semaphore, #tpu.memory_space<semaphore_mem>>
    %dma_start3A_118 = tpu.memref_squeeze %dma_start3A_117 : memref<1x!tpu.dma_semaphore, #tpu.memory_space<semaphore_mem>> -> memref<!tpu.dma_semaphore, #tpu.memory_space<semaphore_mem>>
    %dma_start3A_119 = arith.constant 0 : i32
    %dma_start3A_120 = arith.constant 0 : i32
    %dma_start3A_121 = tpu.memref_slice %arg4[%dma_start3A_119, %dma_start3A_120] : memref<2x20480xi32, #tpu.memory_space<vmem>> -> memref<2x20480xi32, #tpu.memory_space<vmem>>
    %dma_start3A_122 = arith.constant 0 : i32
    %dma_start3A_123 = tpu.memref_slice %arg2[%dma_start3A_122, %add3A_110] : memref<2x6400000xi32, #tpu.memory_space<hbm>> -> memref<2x20480xi32, #tpu.memory_space<hbm>>
    tpu.enqueue_dma source(%dma_start3A_123 : memref<2x20480xi32, #tpu.memory_space<hbm>>) target(%dma_start3A_121 : memref<2x20480xi32, #tpu.memory_space<vmem>>) target_semaphore(%dma_start3A_118 : memref<!tpu.dma_semaphore, #tpu.memory_space<semaphore_mem>>)
    %add3A_124 = arith.constant 20480 : i32
    %add3A_125 = arith.addi %multiple_of3A, %add3A_124 : i32
    %dma_start3A_126 = arith.constant 1 : i32
    %dma_start3A_127 = arith.constant 0 : i32
    %dma_start3A_128 = arith.constant 0 : i32
    %dma_start3A_129 = tpu.memref_slice %arg5[%dma_start3A_127, %dma_start3A_128] : memref<2x20480xi32, #tpu.memory_space<vmem>> -> memref<2x20480xi32, #tpu.memory_space<vmem>>
    %dma_start3A_130 = arith.constant 0 : i32
    %dma_start3A_131 = tpu.memref_slice %arg3[%dma_start3A_130, %add3A_125] : memref<2x6400000xi32, #tpu.memory_space<hbm>> -> memref<2x20480xi32, #tpu.memory_space<hbm>>
    %dma_start3A_132 = tpu.memref_slice %arg8[%dma_start3A_126] : memref<3x!tpu.dma_semaphore, #tpu.memory_space<semaphore_mem>> -> memref<1x!tpu.dma_semaphore, #tpu.memory_space<semaphore_mem>>
    %dma_start3A_133 = tpu.memref_squeeze %dma_start3A_132 : memref<1x!tpu.dma_semaphore, #tpu.memory_space<semaphore_mem>> -> memref<!tpu.dma_semaphore, #tpu.memory_space<semaphore_mem>>
    %dma_start3A_134 = arith.constant 0 : i32
    %dma_start3A_135 = tpu.memref_slice %arg3[%dma_start3A_134, %add3A_125] : memref<2x6400000xi32, #tpu.memory_space<hbm>> -> memref<2x20480xi32, #tpu.memory_space<hbm>>
    %dma_start3A_136 = arith.constant 0 : i32
    %dma_start3A_137 = arith.constant 0 : i32
    %dma_start3A_138 = tpu.memref_slice %arg5[%dma_start3A_136, %dma_start3A_137] : memref<2x20480xi32, #tpu.memory_space<vmem>> -> memref<2x20480xi32, #tpu.memory_space<vmem>>
    tpu.enqueue_dma source(%dma_start3A_138 : memref<2x20480xi32, #tpu.memory_space<vmem>>) target(%dma_start3A_135 : memref<2x20480xi32, #tpu.memory_space<hbm>>) target_semaphore(%dma_start3A_133 : memref<!tpu.dma_semaphore, #tpu.memory_space<semaphore_mem>>)
    %add3A_139 = arith.constant 40960 : i32
    %add3A_140 = arith.addi %multiple_of3A, %add3A_139 : i32
    %dma_wait3A_141 = arith.constant 2 : i32
    %dma_wait3A_142 = arith.constant 0 : i32
    %dma_wait3A_143 = arith.constant 0 : i32
    %dma_wait3A_144 = tpu.memref_slice %arg6[%dma_wait3A_142, %dma_wait3A_143] : memref<2x20480xi32, #tpu.memory_space<vmem>> -> memref<2x20480xi32, #tpu.memory_space<vmem>>
    %dma_wait3A_145 = arith.constant 0 : i32
    %dma_wait3A_146 = tpu.memref_slice %arg2[%dma_wait3A_145, %add3A_140] : memref<2x6400000xi32, #tpu.memory_space<hbm>> -> memref<2x20480xi32, #tpu.memory_space<hbm>>
    %dma_wait3A_147 = tpu.memref_slice %arg7[%dma_wait3A_141] : memref<3x!tpu.dma_semaphore, #tpu.memory_space<semaphore_mem>> -> memref<1x!tpu.dma_semaphore, #tpu.memory_space<semaphore_mem>>
    %dma_wait3A_148 = tpu.memref_squeeze %dma_wait3A_147 : memref<1x!tpu.dma_semaphore, #tpu.memory_space<semaphore_mem>> -> memref<!tpu.dma_semaphore, #tpu.memory_space<semaphore_mem>>
    %dma_wait3A_149 = arith.constant 0 : i32
    %dma_wait3A_150 = arith.constant 0 : i32
    %dma_wait3A_151 = tpu.memref_slice %arg6[%dma_wait3A_149, %dma_wait3A_150] : memref<2x20480xi32, #tpu.memory_space<vmem>> -> memref<2x20480xi32, #tpu.memory_space<vmem>>
    %dma_wait3A_152 = arith.constant 0 : i32
    %dma_wait3A_153 = tpu.memref_slice %arg2[%dma_wait3A_152, %add3A_140] : memref<2x6400000xi32, #tpu.memory_space<hbm>> -> memref<2x20480xi32, #tpu.memory_space<hbm>>
    tpu.wait_dma2 semaphore(%dma_wait3A_148 : memref<!tpu.dma_semaphore, #tpu.memory_space<semaphore_mem>>) src(%dma_wait3A_153 : memref<2x20480xi32, #tpu.memory_space<hbm>>) dst(%dma_wait3A_151 : memref<2x20480xi32, #tpu.memory_space<vmem>>)
    %add3A_154 = arith.constant 20480 : i32
    %add3A_155 = arith.addi %multiple_of3A, %add3A_154 : i32
    %dma_wait3A_156 = arith.constant 1 : i32
    %dma_wait3A_157 = arith.constant 0 : i32
    %dma_wait3A_158 = arith.constant 0 : i32
    %dma_wait3A_159 = tpu.memref_slice %arg5[%dma_wait3A_157, %dma_wait3A_158] : memref<2x20480xi32, #tpu.memory_space<vmem>> -> memref<2x20480xi32, #tpu.memory_space<vmem>>
    %dma_wait3A_160 = arith.constant 0 : i32
    %dma_wait3A_161 = tpu.memref_slice %arg3[%dma_wait3A_160, %add3A_155] : memref<2x6400000xi32, #tpu.memory_space<hbm>> -> memref<2x20480xi32, #tpu.memory_space<hbm>>
    %dma_wait3A_162 = tpu.memref_slice %arg8[%dma_wait3A_156] : memref<3x!tpu.dma_semaphore, #tpu.memory_space<semaphore_mem>> -> memref<1x!tpu.dma_semaphore, #tpu.memory_space<semaphore_mem>>
    %dma_wait3A_163 = tpu.memref_squeeze %dma_wait3A_162 : memref<1x!tpu.dma_semaphore, #tpu.memory_space<semaphore_mem>> -> memref<!tpu.dma_semaphore, #tpu.memory_space<semaphore_mem>>
    %dma_wait3A_164 = arith.constant 0 : i32
    %dma_wait3A_165 = tpu.memref_slice %arg3[%dma_wait3A_164, %add3A_155] : memref<2x6400000xi32, #tpu.memory_space<hbm>> -> memref<2x20480xi32, #tpu.memory_space<hbm>>
    %dma_wait3A_166 = arith.constant 0 : i32
    %dma_wait3A_167 = arith.constant 0 : i32
    %dma_wait3A_168 = tpu.memref_slice %arg5[%dma_wait3A_166, %dma_wait3A_167] : memref<2x20480xi32, #tpu.memory_space<vmem>> -> memref<2x20480xi32, #tpu.memory_space<vmem>>
    tpu.wait_dma2 semaphore(%dma_wait3A_163 : memref<!tpu.dma_semaphore, #tpu.memory_space<semaphore_mem>>) src(%dma_wait3A_168 : memref<2x20480xi32, #tpu.memory_space<vmem>>) dst(%dma_wait3A_165 : memref<2x20480xi32, #tpu.memory_space<hbm>>)
    %add3A_169 = arith.constant 81920 : i32
    %add3A_170 = arith.addi %multiple_of3A, %add3A_169 : i32
    %dma_start3A_171 = arith.constant 1 : i32
    %dma_start3A_172 = arith.constant 0 : i32
    %dma_start3A_173 = arith.constant 0 : i32
    %dma_start3A_174 = tpu.memref_slice %arg5[%dma_start3A_172, %dma_start3A_173] : memref<2x20480xi32, #tpu.memory_space<vmem>> -> memref<2x20480xi32, #tpu.memory_space<vmem>>
    %dma_start3A_175 = arith.constant 0 : i32
    %dma_start3A_176 = tpu.memref_slice %arg2[%dma_start3A_175, %add3A_170] : memref<2x6400000xi32, #tpu.memory_space<hbm>> -> memref<2x20480xi32, #tpu.memory_space<hbm>>
    %dma_start3A_177 = tpu.memref_slice %arg7[%dma_start3A_171] : memref<3x!tpu.dma_semaphore, #tpu.memory_space<semaphore_mem>> -> memref<1x!tpu.dma_semaphore, #tpu.memory_space<semaphore_mem>>
    %dma_start3A_178 = tpu.memref_squeeze %dma_start3A_177 : memref<1x!tpu.dma_semaphore, #tpu.memory_space<semaphore_mem>> -> memref<!tpu.dma_semaphore, #tpu.memory_space<semaphore_mem>>
    %dma_start3A_179 = arith.constant 0 : i32
    %dma_start3A_180 = arith.constant 0 : i32
    %dma_start3A_181 = tpu.memref_slice %arg5[%dma_start3A_179, %dma_start3A_180] : memref<2x20480xi32, #tpu.memory_space<vmem>> -> memref<2x20480xi32, #tpu.memory_space<vmem>>
    %dma_start3A_182 = arith.constant 0 : i32
    %dma_start3A_183 = tpu.memref_slice %arg2[%dma_start3A_182, %add3A_170] : memref<2x6400000xi32, #tpu.memory_space<hbm>> -> memref<2x20480xi32, #tpu.memory_space<hbm>>
    tpu.enqueue_dma source(%dma_start3A_183 : memref<2x20480xi32, #tpu.memory_space<hbm>>) target(%dma_start3A_181 : memref<2x20480xi32, #tpu.memory_space<vmem>>) target_semaphore(%dma_start3A_178 : memref<!tpu.dma_semaphore, #tpu.memory_space<semaphore_mem>>)
    %add3A_184 = arith.constant 40960 : i32
    %add3A_185 = arith.addi %multiple_of3A, %add3A_184 : i32
    %dma_start3A_186 = arith.constant 2 : i32
    %dma_start3A_187 = arith.constant 0 : i32
    %dma_start3A_188 = arith.constant 0 : i32
    %dma_start3A_189 = tpu.memref_slice %arg6[%dma_start3A_187, %dma_start3A_188] : memref<2x20480xi32, #tpu.memory_space<vmem>> -> memref<2x20480xi32, #tpu.memory_space<vmem>>
    %dma_start3A_190 = arith.constant 0 : i32
    %dma_start3A_191 = tpu.memref_slice %arg3[%dma_start3A_190, %add3A_185] : memref<2x6400000xi32, #tpu.memory_space<hbm>> -> memref<2x20480xi32, #tpu.memory_space<hbm>>
    %dma_start3A_192 = tpu.memref_slice %arg8[%dma_start3A_186] : memref<3x!tpu.dma_semaphore, #tpu.memory_space<semaphore_mem>> -> memref<1x!tpu.dma_semaphore, #tpu.memory_space<semaphore_mem>>
    %dma_start3A_193 = tpu.memref_squeeze %dma_start3A_192 : memref<1x!tpu.dma_semaphore, #tpu.memory_space<semaphore_mem>> -> memref<!tpu.dma_semaphore, #tpu.memory_space<semaphore_mem>>
    %dma_start3A_194 = arith.constant 0 : i32
    %dma_start3A_195 = tpu.memref_slice %arg3[%dma_start3A_194, %add3A_185] : memref<2x6400000xi32, #tpu.memory_space<hbm>> -> memref<2x20480xi32, #tpu.memory_space<hbm>>
    %dma_start3A_196 = arith.constant 0 : i32
    %dma_start3A_197 = arith.constant 0 : i32
    %dma_start3A_198 = tpu.memref_slice %arg6[%dma_start3A_196, %dma_start3A_197] : memref<2x20480xi32, #tpu.memory_space<vmem>> -> memref<2x20480xi32, #tpu.memory_space<vmem>>
    tpu.enqueue_dma source(%dma_start3A_198 : memref<2x20480xi32, #tpu.memory_space<vmem>>) target(%dma_start3A_195 : memref<2x20480xi32, #tpu.memory_space<hbm>>) target_semaphore(%dma_start3A_193 : memref<!tpu.dma_semaphore, #tpu.memory_space<semaphore_mem>>)
    %add3A_199 = arith.constant 61440 : i32
    %add3A_200 = arith.addi %multiple_of3A, %add3A_199 : i32
    %dma_wait3A_201 = arith.constant 0 : i32
    %dma_wait3A_202 = arith.constant 0 : i32
    %dma_wait3A_203 = arith.constant 0 : i32
    %dma_wait3A_204 = tpu.memref_slice %arg4[%dma_wait3A_202, %dma_wait3A_203] : memref<2x20480xi32, #tpu.memory_space<vmem>> -> memref<2x20480xi32, #tpu.memory_space<vmem>>
    %dma_wait3A_205 = arith.constant 0 : i32
    %dma_wait3A_206 = tpu.memref_slice %arg2[%dma_wait3A_205, %add3A_200] : memref<2x6400000xi32, #tpu.memory_space<hbm>> -> memref<2x20480xi32, #tpu.memory_space<hbm>>
    %dma_wait3A_207 = tpu.memref_slice %arg7[%dma_wait3A_201] : memref<3x!tpu.dma_semaphore, #tpu.memory_space<semaphore_mem>> -> memref<1x!tpu.dma_semaphore, #tpu.memory_space<semaphore_mem>>
    %dma_wait3A_208 = tpu.memref_squeeze %dma_wait3A_207 : memref<1x!tpu.dma_semaphore, #tpu.memory_space<semaphore_mem>> -> memref<!tpu.dma_semaphore, #tpu.memory_space<semaphore_mem>>
    %dma_wait3A_209 = arith.constant 0 : i32
    %dma_wait3A_210 = arith.constant 0 : i32
    %dma_wait3A_211 = tpu.memref_slice %arg4[%dma_wait3A_209, %dma_wait3A_210] : memref<2x20480xi32, #tpu.memory_space<vmem>> -> memref<2x20480xi32, #tpu.memory_space<vmem>>
    %dma_wait3A_212 = arith.constant 0 : i32
    %dma_wait3A_213 = tpu.memref_slice %arg2[%dma_wait3A_212, %add3A_200] : memref<2x6400000xi32, #tpu.memory_space<hbm>> -> memref<2x20480xi32, #tpu.memory_space<hbm>>
    tpu.wait_dma2 semaphore(%dma_wait3A_208 : memref<!tpu.dma_semaphore, #tpu.memory_space<semaphore_mem>>) src(%dma_wait3A_213 : memref<2x20480xi32, #tpu.memory_space<hbm>>) dst(%dma_wait3A_211 : memref<2x20480xi32, #tpu.memory_space<vmem>>)
    %add3A_214 = arith.constant 40960 : i32
    %add3A_215 = arith.addi %multiple_of3A, %add3A_214 : i32
    %dma_wait3A_216 = arith.constant 2 : i32
    %dma_wait3A_217 = arith.constant 0 : i32
    %dma_wait3A_218 = arith.constant 0 : i32
    %dma_wait3A_219 = tpu.memref_slice %arg6[%dma_wait3A_217, %dma_wait3A_218] : memref<2x20480xi32, #tpu.memory_space<vmem>> -> memref<2x20480xi32, #tpu.memory_space<vmem>>
    %dma_wait3A_220 = arith.constant 0 : i32
    %dma_wait3A_221 = tpu.memref_slice %arg3[%dma_wait3A_220, %add3A_215] : memref<2x6400000xi32, #tpu.memory_space<hbm>> -> memref<2x20480xi32, #tpu.memory_space<hbm>>
    %dma_wait3A_222 = tpu.memref_slice %arg8[%dma_wait3A_216] : memref<3x!tpu.dma_semaphore, #tpu.memory_space<semaphore_mem>> -> memref<1x!tpu.dma_semaphore, #tpu.memory_space<semaphore_mem>>
    %dma_wait3A_223 = tpu.memref_squeeze %dma_wait3A_222 : memref<1x!tpu.dma_semaphore, #tpu.memory_space<semaphore_mem>> -> memref<!tpu.dma_semaphore, #tpu.memory_space<semaphore_mem>>
    %dma_wait3A_224 = arith.constant 0 : i32
    %dma_wait3A_225 = tpu.memref_slice %arg3[%dma_wait3A_224, %add3A_215] : memref<2x6400000xi32, #tpu.memory_space<hbm>> -> memref<2x20480xi32, #tpu.memory_space<hbm>>
    %dma_wait3A_226 = arith.constant 0 : i32
    %dma_wait3A_227 = arith.constant 0 : i32
    %dma_wait3A_228 = tpu.memref_slice %arg6[%dma_wait3A_226, %dma_wait3A_227] : memref<2x20480xi32, #tpu.memory_space<vmem>> -> memref<2x20480xi32, #tpu.memory_space<vmem>>
    tpu.wait_dma2 semaphore(%dma_wait3A_223 : memref<!tpu.dma_semaphore, #tpu.memory_space<semaphore_mem>>) src(%dma_wait3A_228 : memref<2x20480xi32, #tpu.memory_space<vmem>>) dst(%dma_wait3A_225 : memref<2x20480xi32, #tpu.memory_space<hbm>>)
    %add3A_229 = arith.constant 102400 : i32
    %add3A_230 = arith.addi %multiple_of3A, %add3A_229 : i32
    %dma_start3A_231 = arith.constant 2 : i32
    %dma_start3A_232 = arith.constant 0 : i32
    %dma_start3A_233 = arith.constant 0 : i32
    %dma_start3A_234 = tpu.memref_slice %arg6[%dma_start3A_232, %dma_start3A_233] : memref<2x20480xi32, #tpu.memory_space<vmem>> -> memref<2x20480xi32, #tpu.memory_space<vmem>>
    %dma_start3A_235 = arith.constant 0 : i32
    %dma_start3A_236 = tpu.memref_slice %arg2[%dma_start3A_235, %add3A_230] : memref<2x6400000xi32, #tpu.memory_space<hbm>> -> memref<2x20480xi32, #tpu.memory_space<hbm>>
    %dma_start3A_237 = tpu.memref_slice %arg7[%dma_start3A_231] : memref<3x!tpu.dma_semaphore, #tpu.memory_space<semaphore_mem>> -> memref<1x!tpu.dma_semaphore, #tpu.memory_space<semaphore_mem>>
    %dma_start3A_238 = tpu.memref_squeeze %dma_start3A_237 : memref<1x!tpu.dma_semaphore, #tpu.memory_space<semaphore_mem>> -> memref<!tpu.dma_semaphore, #tpu.memory_space<semaphore_mem>>
    %dma_start3A_239 = arith.constant 0 : i32
    %dma_start3A_240 = arith.constant 0 : i32
    %dma_start3A_241 = tpu.memref_slice %arg6[%dma_start3A_239, %dma_start3A_240] : memref<2x20480xi32, #tpu.memory_space<vmem>> -> memref<2x20480xi32, #tpu.memory_space<vmem>>
    %dma_start3A_242 = arith.constant 0 : i32
    %dma_start3A_243 = tpu.memref_slice %arg2[%dma_start3A_242, %add3A_230] : memref<2x6400000xi32, #tpu.memory_space<hbm>> -> memref<2x20480xi32, #tpu.memory_space<hbm>>
    tpu.enqueue_dma source(%dma_start3A_243 : memref<2x20480xi32, #tpu.memory_space<hbm>>) target(%dma_start3A_241 : memref<2x20480xi32, #tpu.memory_space<vmem>>) target_semaphore(%dma_start3A_238 : memref<!tpu.dma_semaphore, #tpu.memory_space<semaphore_mem>>)
    %add3A_244 = arith.constant 61440 : i32
    %add3A_245 = arith.addi %multiple_of3A, %add3A_244 : i32
    %dma_start3A_246 = arith.constant 0 : i32
    %dma_start3A_247 = arith.constant 0 : i32
    %dma_start3A_248 = arith.constant 0 : i32
    %dma_start3A_249 = tpu.memref_slice %arg4[%dma_start3A_247, %dma_start3A_248] : memref<2x20480xi32, #tpu.memory_space<vmem>> -> memref<2x20480xi32, #tpu.memory_space<vmem>>
    %dma_start3A_250 = arith.constant 0 : i32
    %dma_start3A_251 = tpu.memref_slice %arg3[%dma_start3A_250, %add3A_245] : memref<2x6400000xi32, #tpu.memory_space<hbm>> -> memref<2x20480xi32, #tpu.memory_space<hbm>>
    %dma_start3A_252 = tpu.memref_slice %arg8[%dma_start3A_246] : memref<3x!tpu.dma_semaphore, #tpu.memory_space<semaphore_mem>> -> memref<1x!tpu.dma_semaphore, #tpu.memory_space<semaphore_mem>>
    %dma_start3A_253 = tpu.memref_squeeze %dma_start3A_252 : memref<1x!tpu.dma_semaphore, #tpu.memory_space<semaphore_mem>> -> memref<!tpu.dma_semaphore, #tpu.memory_space<semaphore_mem>>
    %dma_start3A_254 = arith.constant 0 : i32
    %dma_start3A_255 = tpu.memref_slice %arg3[%dma_start3A_254, %add3A_245] : memref<2x6400000xi32, #tpu.memory_space<hbm>> -> memref<2x20480xi32, #tpu.memory_space<hbm>>
    %dma_start3A_256 = arith.constant 0 : i32
    %dma_start3A_257 = arith.constant 0 : i32
    %dma_start3A_258 = tpu.memref_slice %arg4[%dma_start3A_256, %dma_start3A_257] : memref<2x20480xi32, #tpu.memory_space<vmem>> -> memref<2x20480xi32, #tpu.memory_space<vmem>>
    tpu.enqueue_dma source(%dma_start3A_258 : memref<2x20480xi32, #tpu.memory_space<vmem>>) target(%dma_start3A_255 : memref<2x20480xi32, #tpu.memory_space<hbm>>) target_semaphore(%dma_start3A_253 : memref<!tpu.dma_semaphore, #tpu.memory_space<semaphore_mem>>)
    %add3A_259 = arith.constant 81920 : i32
    %add3A_260 = arith.addi %multiple_of3A, %add3A_259 : i32
    %dma_wait3A_261 = arith.constant 1 : i32
    %dma_wait3A_262 = arith.constant 0 : i32
    %dma_wait3A_263 = arith.constant 0 : i32
    %dma_wait3A_264 = tpu.memref_slice %arg5[%dma_wait3A_262, %dma_wait3A_263] : memref<2x20480xi32, #tpu.memory_space<vmem>> -> memref<2x20480xi32, #tpu.memory_space<vmem>>
    %dma_wait3A_265 = arith.constant 0 : i32
    %dma_wait3A_266 = tpu.memref_slice %arg2[%dma_wait3A_265, %add3A_260] : memref<2x6400000xi32, #tpu.memory_space<hbm>> -> memref<2x20480xi32, #tpu.memory_space<hbm>>
    %dma_wait3A_267 = tpu.memref_slice %arg7[%dma_wait3A_261] : memref<3x!tpu.dma_semaphore, #tpu.memory_space<semaphore_mem>> -> memref<1x!tpu.dma_semaphore, #tpu.memory_space<semaphore_mem>>
    %dma_wait3A_268 = tpu.memref_squeeze %dma_wait3A_267 : memref<1x!tpu.dma_semaphore, #tpu.memory_space<semaphore_mem>> -> memref<!tpu.dma_semaphore, #tpu.memory_space<semaphore_mem>>
    %dma_wait3A_269 = arith.constant 0 : i32
    %dma_wait3A_270 = arith.constant 0 : i32
    %dma_wait3A_271 = tpu.memref_slice %arg5[%dma_wait3A_269, %dma_wait3A_270] : memref<2x20480xi32, #tpu.memory_space<vmem>> -> memref<2x20480xi32, #tpu.memory_space<vmem>>
    %dma_wait3A_272 = arith.constant 0 : i32
    %dma_wait3A_273 = tpu.memref_slice %arg2[%dma_wait3A_272, %add3A_260] : memref<2x6400000xi32, #tpu.memory_space<hbm>> -> memref<2x20480xi32, #tpu.memory_space<hbm>>
    tpu.wait_dma2 semaphore(%dma_wait3A_268 : memref<!tpu.dma_semaphore, #tpu.memory_space<semaphore_mem>>) src(%dma_wait3A_273 : memref<2x20480xi32, #tpu.memory_space<hbm>>) dst(%dma_wait3A_271 : memref<2x20480xi32, #tpu.memory_space<vmem>>)
    %add3A_274 = arith.constant 61440 : i32
    %add3A_275 = arith.addi %multiple_of3A, %add3A_274 : i32
    %dma_wait3A_276 = arith.constant 0 : i32
    %dma_wait3A_277 = arith.constant 0 : i32
    %dma_wait3A_278 = arith.constant 0 : i32
    %dma_wait3A_279 = tpu.memref_slice %arg4[%dma_wait3A_277, %dma_wait3A_278] : memref<2x20480xi32, #tpu.memory_space<vmem>> -> memref<2x20480xi32, #tpu.memory_space<vmem>>
    %dma_wait3A_280 = arith.constant 0 : i32
    %dma_wait3A_281 = tpu.memref_slice %arg3[%dma_wait3A_280, %add3A_275] : memref<2x6400000xi32, #tpu.memory_space<hbm>> -> memref<2x20480xi32, #tpu.memory_space<hbm>>
    %dma_wait3A_282 = tpu.memref_slice %arg8[%dma_wait3A_276] : memref<3x!tpu.dma_semaphore, #tpu.memory_space<semaphore_mem>> -> memref<1x!tpu.dma_semaphore, #tpu.memory_space<semaphore_mem>>
    %dma_wait3A_283 = tpu.memref_squeeze %dma_wait3A_282 : memref<1x!tpu.dma_semaphore, #tpu.memory_space<semaphore_mem>> -> memref<!tpu.dma_semaphore, #tpu.memory_space<semaphore_mem>>
    %dma_wait3A_284 = arith.constant 0 : i32
    %dma_wait3A_285 = tpu.memref_slice %arg3[%dma_wait3A_284, %add3A_275] : memref<2x6400000xi32, #tpu.memory_space<hbm>> -> memref<2x20480xi32, #tpu.memory_space<hbm>>
    %dma_wait3A_286 = arith.constant 0 : i32
    %dma_wait3A_287 = arith.constant 0 : i32
    %dma_wait3A_288 = tpu.memref_slice %arg4[%dma_wait3A_286, %dma_wait3A_287] : memref<2x20480xi32, #tpu.memory_space<vmem>> -> memref<2x20480xi32, #tpu.memory_space<vmem>>
    tpu.wait_dma2 semaphore(%dma_wait3A_283 : memref<!tpu.dma_semaphore, #tpu.memory_space<semaphore_mem>>) src(%dma_wait3A_288 : memref<2x20480xi32, #tpu.memory_space<vmem>>) dst(%dma_wait3A_285 : memref<2x20480xi32, #tpu.memory_space<hbm>>)
    %add3A_289 = arith.constant 122880 : i32
    %add3A_290 = arith.addi %multiple_of3A, %add3A_289 : i32
    %dma_start3A_291 = arith.constant 0 : i32
    %dma_start3A_292 = arith.constant 0 : i32
    %dma_start3A_293 = arith.constant 0 : i32
    %dma_start3A_294 = tpu.memref_slice %arg4[%dma_start3A_292, %dma_start3A_293] : memref<2x20480xi32, #tpu.memory_space<vmem>> -> memref<2x20480xi32, #tpu.memory_space<vmem>>
    %dma_start3A_295 = arith.constant 0 : i32
    %dma_start3A_296 = tpu.memref_slice %arg2[%dma_start3A_295, %add3A_290] : memref<2x6400000xi32, #tpu.memory_space<hbm>> -> memref<2x20480xi32, #tpu.memory_space<hbm>>
    %dma_start3A_297 = tpu.memref_slice %arg7[%dma_start3A_291] : memref<3x!tpu.dma_semaphore, #tpu.memory_space<semaphore_mem>> -> memref<1x!tpu.dma_semaphore, #tpu.memory_space<semaphore_mem>>
    %dma_start3A_298 = tpu.memref_squeeze %dma_start3A_297 : memref<1x!tpu.dma_semaphore, #tpu.memory_space<semaphore_mem>> -> memref<!tpu.dma_semaphore, #tpu.memory_space<semaphore_mem>>
    %dma_start3A_299 = arith.constant 0 : i32
    %dma_start3A_300 = arith.constant 0 : i32
    %dma_start3A_301 = tpu.memref_slice %arg4[%dma_start3A_299, %dma_start3A_300] : memref<2x20480xi32, #tpu.memory_space<vmem>> -> memref<2x20480xi32, #tpu.memory_space<vmem>>
    %dma_start3A_302 = arith.constant 0 : i32
    %dma_start3A_303 = tpu.memref_slice %arg2[%dma_start3A_302, %add3A_290] : memref<2x6400000xi32, #tpu.memory_space<hbm>> -> memref<2x20480xi32, #tpu.memory_space<hbm>>
    tpu.enqueue_dma source(%dma_start3A_303 : memref<2x20480xi32, #tpu.memory_space<hbm>>) target(%dma_start3A_301 : memref<2x20480xi32, #tpu.memory_space<vmem>>) target_semaphore(%dma_start3A_298 : memref<!tpu.dma_semaphore, #tpu.memory_space<semaphore_mem>>)
    %add3A_304 = arith.constant 81920 : i32
    %add3A_305 = arith.addi %multiple_of3A, %add3A_304 : i32
    %dma_start3A_306 = arith.constant 1 : i32
    %dma_start3A_307 = arith.constant 0 : i32
    %dma_start3A_308 = arith.constant 0 : i32
    %dma_start3A_309 = tpu.memref_slice %arg5[%dma_start3A_307, %dma_start3A_308] : memref<2x20480xi32, #tpu.memory_space<vmem>> -> memref<2x20480xi32, #tpu.memory_space<vmem>>
    %dma_start3A_310 = arith.constant 0 : i32
    %dma_start3A_311 = tpu.memref_slice %arg3[%dma_start3A_310, %add3A_305] : memref<2x6400000xi32, #tpu.memory_space<hbm>> -> memref<2x20480xi32, #tpu.memory_space<hbm>>
    %dma_start3A_312 = tpu.memref_slice %arg8[%dma_start3A_306] : memref<3x!tpu.dma_semaphore, #tpu.memory_space<semaphore_mem>> -> memref<1x!tpu.dma_semaphore, #tpu.memory_space<semaphore_mem>>
    %dma_start3A_313 = tpu.memref_squeeze %dma_start3A_312 : memref<1x!tpu.dma_semaphore, #tpu.memory_space<semaphore_mem>> -> memref<!tpu.dma_semaphore, #tpu.memory_space<semaphore_mem>>
    %dma_start3A_314 = arith.constant 0 : i32
    %dma_start3A_315 = tpu.memref_slice %arg3[%dma_start3A_314, %add3A_305] : memref<2x6400000xi32, #tpu.memory_space<hbm>> -> memref<2x20480xi32, #tpu.memory_space<hbm>>
    %dma_start3A_316 = arith.constant 0 : i32
    %dma_start3A_317 = arith.constant 0 : i32
    %dma_start3A_318 = tpu.memref_slice %arg5[%dma_start3A_316, %dma_start3A_317] : memref<2x20480xi32, #tpu.memory_space<vmem>> -> memref<2x20480xi32, #tpu.memory_space<vmem>>
    tpu.enqueue_dma source(%dma_start3A_318 : memref<2x20480xi32, #tpu.memory_space<vmem>>) target(%dma_start3A_315 : memref<2x20480xi32, #tpu.memory_space<hbm>>) target_semaphore(%dma_start3A_313 : memref<!tpu.dma_semaphore, #tpu.memory_space<semaphore_mem>>)
    %add3A_319 = arith.constant 102400 : i32
    %add3A_320 = arith.addi %multiple_of3A, %add3A_319 : i32
    %dma_wait3A_321 = arith.constant 2 : i32
    %dma_wait3A_322 = arith.constant 0 : i32
    %dma_wait3A_323 = arith.constant 0 : i32
    %dma_wait3A_324 = tpu.memref_slice %arg6[%dma_wait3A_322, %dma_wait3A_323] : memref<2x20480xi32, #tpu.memory_space<vmem>> -> memref<2x20480xi32, #tpu.memory_space<vmem>>
    %dma_wait3A_325 = arith.constant 0 : i32
    %dma_wait3A_326 = tpu.memref_slice %arg2[%dma_wait3A_325, %add3A_320] : memref<2x6400000xi32, #tpu.memory_space<hbm>> -> memref<2x20480xi32, #tpu.memory_space<hbm>>
    %dma_wait3A_327 = tpu.memref_slice %arg7[%dma_wait3A_321] : memref<3x!tpu.dma_semaphore, #tpu.memory_space<semaphore_mem>> -> memref<1x!tpu.dma_semaphore, #tpu.memory_space<semaphore_mem>>
    %dma_wait3A_328 = tpu.memref_squeeze %dma_wait3A_327 : memref<1x!tpu.dma_semaphore, #tpu.memory_space<semaphore_mem>> -> memref<!tpu.dma_semaphore, #tpu.memory_space<semaphore_mem>>
    %dma_wait3A_329 = arith.constant 0 : i32
    %dma_wait3A_330 = arith.constant 0 : i32
    %dma_wait3A_331 = tpu.memref_slice %arg6[%dma_wait3A_329, %dma_wait3A_330] : memref<2x20480xi32, #tpu.memory_space<vmem>> -> memref<2x20480xi32, #tpu.memory_space<vmem>>
    %dma_wait3A_332 = arith.constant 0 : i32
    %dma_wait3A_333 = tpu.memref_slice %arg2[%dma_wait3A_332, %add3A_320] : memref<2x6400000xi32, #tpu.memory_space<hbm>> -> memref<2x20480xi32, #tpu.memory_space<hbm>>
    tpu.wait_dma2 semaphore(%dma_wait3A_328 : memref<!tpu.dma_semaphore, #tpu.memory_space<semaphore_mem>>) src(%dma_wait3A_333 : memref<2x20480xi32, #tpu.memory_space<hbm>>) dst(%dma_wait3A_331 : memref<2x20480xi32, #tpu.memory_space<vmem>>)
    %add3A_334 = arith.constant 81920 : i32
    %add3A_335 = arith.addi %multiple_of3A, %add3A_334 : i32
    %dma_wait3A_336 = arith.constant 1 : i32
    %dma_wait3A_337 = arith.constant 0 : i32
    %dma_wait3A_338 = arith.constant 0 : i32
    %dma_wait3A_339 = tpu.memref_slice %arg5[%dma_wait3A_337, %dma_wait3A_338] : memref<2x20480xi32, #tpu.memory_space<vmem>> -> memref<2x20480xi32, #tpu.memory_space<vmem>>
    %dma_wait3A_340 = arith.constant 0 : i32
    %dma_wait3A_341 = tpu.memref_slice %arg3[%dma_wait3A_340, %add3A_335] : memref<2x6400000xi32, #tpu.memory_space<hbm>> -> memref<2x20480xi32, #tpu.memory_space<hbm>>
    %dma_wait3A_342 = tpu.memref_slice %arg8[%dma_wait3A_336] : memref<3x!tpu.dma_semaphore, #tpu.memory_space<semaphore_mem>> -> memref<1x!tpu.dma_semaphore, #tpu.memory_space<semaphore_mem>>
    %dma_wait3A_343 = tpu.memref_squeeze %dma_wait3A_342 : memref<1x!tpu.dma_semaphore, #tpu.memory_space<semaphore_mem>> -> memref<!tpu.dma_semaphore, #tpu.memory_space<semaphore_mem>>
    %dma_wait3A_344 = arith.constant 0 : i32
    %dma_wait3A_345 = tpu.memref_slice %arg3[%dma_wait3A_344, %add3A_335] : memref<2x6400000xi32, #tpu.memory_space<hbm>> -> memref<2x20480xi32, #tpu.memory_space<hbm>>
    %dma_wait3A_346 = arith.constant 0 : i32
    %dma_wait3A_347 = arith.constant 0 : i32
    %dma_wait3A_348 = tpu.memref_slice %arg5[%dma_wait3A_346, %dma_wait3A_347] : memref<2x20480xi32, #tpu.memory_space<vmem>> -> memref<2x20480xi32, #tpu.memory_space<vmem>>
    tpu.wait_dma2 semaphore(%dma_wait3A_343 : memref<!tpu.dma_semaphore, #tpu.memory_space<semaphore_mem>>) src(%dma_wait3A_348 : memref<2x20480xi32, #tpu.memory_space<vmem>>) dst(%dma_wait3A_345 : memref<2x20480xi32, #tpu.memory_space<hbm>>)
    %add3A_349 = arith.constant 143360 : i32
    %add3A_350 = arith.addi %multiple_of3A, %add3A_349 : i32
    %dma_start3A_351 = arith.constant 1 : i32
    %dma_start3A_352 = arith.constant 0 : i32
    %dma_start3A_353 = arith.constant 0 : i32
    %dma_start3A_354 = tpu.memref_slice %arg5[%dma_start3A_352, %dma_start3A_353] : memref<2x20480xi32, #tpu.memory_space<vmem>> -> memref<2x20480xi32, #tpu.memory_space<vmem>>
    %dma_start3A_355 = arith.constant 0 : i32
    %dma_start3A_356 = tpu.memref_slice %arg2[%dma_start3A_355, %add3A_350] : memref<2x6400000xi32, #tpu.memory_space<hbm>> -> memref<2x20480xi32, #tpu.memory_space<hbm>>
    %dma_start3A_357 = tpu.memref_slice %arg7[%dma_start3A_351] : memref<3x!tpu.dma_semaphore, #tpu.memory_space<semaphore_mem>> -> memref<1x!tpu.dma_semaphore, #tpu.memory_space<semaphore_mem>>
    %dma_start3A_358 = tpu.memref_squeeze %dma_start3A_357 : memref<1x!tpu.dma_semaphore, #tpu.memory_space<semaphore_mem>> -> memref<!tpu.dma_semaphore, #tpu.memory_space<semaphore_mem>>
    %dma_start3A_359 = arith.constant 0 : i32
    %dma_start3A_360 = arith.constant 0 : i32
    %dma_start3A_361 = tpu.memref_slice %arg5[%dma_start3A_359, %dma_start3A_360] : memref<2x20480xi32, #tpu.memory_space<vmem>> -> memref<2x20480xi32, #tpu.memory_space<vmem>>
    %dma_start3A_362 = arith.constant 0 : i32
    %dma_start3A_363 = tpu.memref_slice %arg2[%dma_start3A_362, %add3A_350] : memref<2x6400000xi32, #tpu.memory_space<hbm>> -> memref<2x20480xi32, #tpu.memory_space<hbm>>
    tpu.enqueue_dma source(%dma_start3A_363 : memref<2x20480xi32, #tpu.memory_space<hbm>>) target(%dma_start3A_361 : memref<2x20480xi32, #tpu.memory_space<vmem>>) target_semaphore(%dma_start3A_358 : memref<!tpu.dma_semaphore, #tpu.memory_space<semaphore_mem>>)
    %add3A_364 = arith.constant 102400 : i32
    %add3A_365 = arith.addi %multiple_of3A, %add3A_364 : i32
    %dma_start3A_366 = arith.constant 2 : i32
    %dma_start3A_367 = arith.constant 0 : i32
    %dma_start3A_368 = arith.constant 0 : i32
    %dma_start3A_369 = tpu.memref_slice %arg6[%dma_start3A_367, %dma_start3A_368] : memref<2x20480xi32, #tpu.memory_space<vmem>> -> memref<2x20480xi32, #tpu.memory_space<vmem>>
    %dma_start3A_370 = arith.constant 0 : i32
    %dma_start3A_371 = tpu.memref_slice %arg3[%dma_start3A_370, %add3A_365] : memref<2x6400000xi32, #tpu.memory_space<hbm>> -> memref<2x20480xi32, #tpu.memory_space<hbm>>
    %dma_start3A_372 = tpu.memref_slice %arg8[%dma_start3A_366] : memref<3x!tpu.dma_semaphore, #tpu.memory_space<semaphore_mem>> -> memref<1x!tpu.dma_semaphore, #tpu.memory_space<semaphore_mem>>
    %dma_start3A_373 = tpu.memref_squeeze %dma_start3A_372 : memref<1x!tpu.dma_semaphore, #tpu.memory_space<semaphore_mem>> -> memref<!tpu.dma_semaphore, #tpu.memory_space<semaphore_mem>>
    %dma_start3A_374 = arith.constant 0 : i32
    %dma_start3A_375 = tpu.memref_slice %arg3[%dma_start3A_374, %add3A_365] : memref<2x6400000xi32, #tpu.memory_space<hbm>> -> memref<2x20480xi32, #tpu.memory_space<hbm>>
    %dma_start3A_376 = arith.constant 0 : i32
    %dma_start3A_377 = arith.constant 0 : i32
    %dma_start3A_378 = tpu.memref_slice %arg6[%dma_start3A_376, %dma_start3A_377] : memref<2x20480xi32, #tpu.memory_space<vmem>> -> memref<2x20480xi32, #tpu.memory_space<vmem>>
    tpu.enqueue_dma source(%dma_start3A_378 : memref<2x20480xi32, #tpu.memory_space<vmem>>) target(%dma_start3A_375 : memref<2x20480xi32, #tpu.memory_space<hbm>>) target_semaphore(%dma_start3A_373 : memref<!tpu.dma_semaphore, #tpu.memory_space<semaphore_mem>>)
    %add3A_379 = arith.constant 122880 : i32
    %add3A_380 = arith.addi %multiple_of3A, %add3A_379 : i32
    %dma_wait3A_381 = arith.constant 0 : i32
    %dma_wait3A_382 = arith.constant 0 : i32
    %dma_wait3A_383 = arith.constant 0 : i32
    %dma_wait3A_384 = tpu.memref_slice %arg4[%dma_wait3A_382, %dma_wait3A_383] : memref<2x20480xi32, #tpu.memory_space<vmem>> -> memref<2x20480xi32, #tpu.memory_space<vmem>>
    %dma_wait3A_385 = arith.constant 0 : i32
    %dma_wait3A_386 = tpu.memref_slice %arg2[%dma_wait3A_385, %add3A_380] : memref<2x6400000xi32, #tpu.memory_space<hbm>> -> memref<2x20480xi32, #tpu.memory_space<hbm>>
    %dma_wait3A_387 = tpu.memref_slice %arg7[%dma_wait3A_381] : memref<3x!tpu.dma_semaphore, #tpu.memory_space<semaphore_mem>> -> memref<1x!tpu.dma_semaphore, #tpu.memory_space<semaphore_mem>>
    %dma_wait3A_388 = tpu.memref_squeeze %dma_wait3A_387 : memref<1x!tpu.dma_semaphore, #tpu.memory_space<semaphore_mem>> -> memref<!tpu.dma_semaphore, #tpu.memory_space<semaphore_mem>>
    %dma_wait3A_389 = arith.constant 0 : i32
    %dma_wait3A_390 = arith.constant 0 : i32
    %dma_wait3A_391 = tpu.memref_slice %arg4[%dma_wait3A_389, %dma_wait3A_390] : memref<2x20480xi32, #tpu.memory_space<vmem>> -> memref<2x20480xi32, #tpu.memory_space<vmem>>
    %dma_wait3A_392 = arith.constant 0 : i32
    %dma_wait3A_393 = tpu.memref_slice %arg2[%dma_wait3A_392, %add3A_380] : memref<2x6400000xi32, #tpu.memory_space<hbm>> -> memref<2x20480xi32, #tpu.memory_space<hbm>>
    tpu.wait_dma2 semaphore(%dma_wait3A_388 : memref<!tpu.dma_semaphore, #tpu.memory_space<semaphore_mem>>) src(%dma_wait3A_393 : memref<2x20480xi32, #tpu.memory_space<hbm>>) dst(%dma_wait3A_391 : memref<2x20480xi32, #tpu.memory_space<vmem>>)
    %add3A_394 = arith.constant 102400 : i32
    %add3A_395 = arith.addi %multiple_of3A, %add3A_394 : i32
    %dma_wait3A_396 = arith.constant 2 : i32
    %dma_wait3A_397 = arith.constant 0 : i32
    %dma_wait3A_398 = arith.constant 0 : i32
    %dma_wait3A_399 = tpu.memref_slice %arg6[%dma_wait3A_397, %dma_wait3A_398] : memref<2x20480xi32, #tpu.memory_space<vmem>> -> memref<2x20480xi32, #tpu.memory_space<vmem>>
    %dma_wait3A_400 = arith.constant 0 : i32
    %dma_wait3A_401 = tpu.memref_slice %arg3[%dma_wait3A_400, %add3A_395] : memref<2x6400000xi32, #tpu.memory_space<hbm>> -> memref<2x20480xi32, #tpu.memory_space<hbm>>
    %dma_wait3A_402 = tpu.memref_slice %arg8[%dma_wait3A_396] : memref<3x!tpu.dma_semaphore, #tpu.memory_space<semaphore_mem>> -> memref<1x!tpu.dma_semaphore, #tpu.memory_space<semaphore_mem>>
    %dma_wait3A_403 = tpu.memref_squeeze %dma_wait3A_402 : memref<1x!tpu.dma_semaphore, #tpu.memory_space<semaphore_mem>> -> memref<!tpu.dma_semaphore, #tpu.memory_space<semaphore_mem>>
    %dma_wait3A_404 = arith.constant 0 : i32
    %dma_wait3A_405 = tpu.memref_slice %arg3[%dma_wait3A_404, %add3A_395] : memref<2x6400000xi32, #tpu.memory_space<hbm>> -> memref<2x20480xi32, #tpu.memory_space<hbm>>
    %dma_wait3A_406 = arith.constant 0 : i32
    %dma_wait3A_407 = arith.constant 0 : i32
    %dma_wait3A_408 = tpu.memref_slice %arg6[%dma_wait3A_406, %dma_wait3A_407] : memref<2x20480xi32, #tpu.memory_space<vmem>> -> memref<2x20480xi32, #tpu.memory_space<vmem>>
    tpu.wait_dma2 semaphore(%dma_wait3A_403 : memref<!tpu.dma_semaphore, #tpu.memory_space<semaphore_mem>>) src(%dma_wait3A_408 : memref<2x20480xi32, #tpu.memory_space<vmem>>) dst(%dma_wait3A_405 : memref<2x20480xi32, #tpu.memory_space<hbm>>)
    %add3A_409 = arith.constant 163840 : i32
    %add3A_410 = arith.addi %multiple_of3A, %add3A_409 : i32
    %dma_start3A_411 = arith.constant 2 : i32
    %dma_start3A_412 = arith.constant 0 : i32
    %dma_start3A_413 = arith.constant 0 : i32
    %dma_start3A_414 = tpu.memref_slice %arg6[%dma_start3A_412, %dma_start3A_413] : memref<2x20480xi32, #tpu.memory_space<vmem>> -> memref<2x20480xi32, #tpu.memory_space<vmem>>
    %dma_start3A_415 = arith.constant 0 : i32
    %dma_start3A_416 = tpu.memref_slice %arg2[%dma_start3A_415, %add3A_410] : memref<2x6400000xi32, #tpu.memory_space<hbm>> -> memref<2x20480xi32, #tpu.memory_space<hbm>>
    %dma_start3A_417 = tpu.memref_slice %arg7[%dma_start3A_411] : memref<3x!tpu.dma_semaphore, #tpu.memory_space<semaphore_mem>> -> memref<1x!tpu.dma_semaphore, #tpu.memory_space<semaphore_mem>>
    %dma_start3A_418 = tpu.memref_squeeze %dma_start3A_417 : memref<1x!tpu.dma_semaphore, #tpu.memory_space<semaphore_mem>> -> memref<!tpu.dma_semaphore, #tpu.memory_space<semaphore_mem>>
    %dma_start3A_419 = arith.constant 0 : i32
    %dma_start3A_420 = arith.constant 0 : i32
    %dma_start3A_421 = tpu.memref_slice %arg6[%dma_start3A_419, %dma_start3A_420] : memref<2x20480xi32, #tpu.memory_space<vmem>> -> memref<2x20480xi32, #tpu.memory_space<vmem>>
    %dma_start3A_422 = arith.constant 0 : i32
    %dma_start3A_423 = tpu.memref_slice %arg2[%dma_start3A_422, %add3A_410] : memref<2x6400000xi32, #tpu.memory_space<hbm>> -> memref<2x20480xi32, #tpu.memory_space<hbm>>
    tpu.enqueue_dma source(%dma_start3A_423 : memref<2x20480xi32, #tpu.memory_space<hbm>>) target(%dma_start3A_421 : memref<2x20480xi32, #tpu.memory_space<vmem>>) target_semaphore(%dma_start3A_418 : memref<!tpu.dma_semaphore, #tpu.memory_space<semaphore_mem>>)
    %add3A_424 = arith.constant 122880 : i32
    %add3A_425 = arith.addi %multiple_of3A, %add3A_424 : i32
    %dma_start3A_426 = arith.constant 0 : i32
    %dma_start3A_427 = arith.constant 0 : i32
    %dma_start3A_428 = arith.constant 0 : i32
    %dma_start3A_429 = tpu.memref_slice %arg4[%dma_start3A_427, %dma_start3A_428] : memref<2x20480xi32, #tpu.memory_space<vmem>> -> memref<2x20480xi32, #tpu.memory_space<vmem>>
    %dma_start3A_430 = arith.constant 0 : i32
    %dma_start3A_431 = tpu.memref_slice %arg3[%dma_start3A_430, %add3A_425] : memref<2x6400000xi32, #tpu.memory_space<hbm>> -> memref<2x20480xi32, #tpu.memory_space<hbm>>
    %dma_start3A_432 = tpu.memref_slice %arg8[%dma_start3A_426] : memref<3x!tpu.dma_semaphore, #tpu.memory_space<semaphore_mem>> -> memref<1x!tpu.dma_semaphore, #tpu.memory_space<semaphore_mem>>
    %dma_start3A_433 = tpu.memref_squeeze %dma_start3A_432 : memref<1x!tpu.dma_semaphore, #tpu.memory_space<semaphore_mem>> -> memref<!tpu.dma_semaphore, #tpu.memory_space<semaphore_mem>>
    %dma_start3A_434 = arith.constant 0 : i32
    %dma_start3A_435 = tpu.memref_slice %arg3[%dma_start3A_434, %add3A_425] : memref<2x6400000xi32, #tpu.memory_space<hbm>> -> memref<2x20480xi32, #tpu.memory_space<hbm>>
    %dma_start3A_436 = arith.constant 0 : i32
    %dma_start3A_437 = arith.constant 0 : i32
    %dma_start3A_438 = tpu.memref_slice %arg4[%dma_start3A_436, %dma_start3A_437] : memref<2x20480xi32, #tpu.memory_space<vmem>> -> memref<2x20480xi32, #tpu.memory_space<vmem>>
    tpu.enqueue_dma source(%dma_start3A_438 : memref<2x20480xi32, #tpu.memory_space<vmem>>) target(%dma_start3A_435 : memref<2x20480xi32, #tpu.memory_space<hbm>>) target_semaphore(%dma_start3A_433 : memref<!tpu.dma_semaphore, #tpu.memory_space<semaphore_mem>>)
    %add3A_439 = arith.constant 143360 : i32
    %add3A_440 = arith.addi %multiple_of3A, %add3A_439 : i32
    %dma_wait3A_441 = arith.constant 1 : i32
    %dma_wait3A_442 = arith.constant 0 : i32
    %dma_wait3A_443 = arith.constant 0 : i32
    %dma_wait3A_444 = tpu.memref_slice %arg5[%dma_wait3A_442, %dma_wait3A_443] : memref<2x20480xi32, #tpu.memory_space<vmem>> -> memref<2x20480xi32, #tpu.memory_space<vmem>>
    %dma_wait3A_445 = arith.constant 0 : i32
    %dma_wait3A_446 = tpu.memref_slice %arg2[%dma_wait3A_445, %add3A_440] : memref<2x6400000xi32, #tpu.memory_space<hbm>> -> memref<2x20480xi32, #tpu.memory_space<hbm>>
    %dma_wait3A_447 = tpu.memref_slice %arg7[%dma_wait3A_441] : memref<3x!tpu.dma_semaphore, #tpu.memory_space<semaphore_mem>> -> memref<1x!tpu.dma_semaphore, #tpu.memory_space<semaphore_mem>>
    %dma_wait3A_448 = tpu.memref_squeeze %dma_wait3A_447 : memref<1x!tpu.dma_semaphore, #tpu.memory_space<semaphore_mem>> -> memref<!tpu.dma_semaphore, #tpu.memory_space<semaphore_mem>>
    %dma_wait3A_449 = arith.constant 0 : i32
    %dma_wait3A_450 = arith.constant 0 : i32
    %dma_wait3A_451 = tpu.memref_slice %arg5[%dma_wait3A_449, %dma_wait3A_450] : memref<2x20480xi32, #tpu.memory_space<vmem>> -> memref<2x20480xi32, #tpu.memory_space<vmem>>
    %dma_wait3A_452 = arith.constant 0 : i32
    %dma_wait3A_453 = tpu.memref_slice %arg2[%dma_wait3A_452, %add3A_440] : memref<2x6400000xi32, #tpu.memory_space<hbm>> -> memref<2x20480xi32, #tpu.memory_space<hbm>>
    tpu.wait_dma2 semaphore(%dma_wait3A_448 : memref<!tpu.dma_semaphore, #tpu.memory_space<semaphore_mem>>) src(%dma_wait3A_453 : memref<2x20480xi32, #tpu.memory_space<hbm>>) dst(%dma_wait3A_451 : memref<2x20480xi32, #tpu.memory_space<vmem>>)
    %add3A_454 = arith.constant 122880 : i32
    %add3A_455 = arith.addi %multiple_of3A, %add3A_454 : i32
    %dma_wait3A_456 = arith.constant 0 : i32
    %dma_wait3A_457 = arith.constant 0 : i32
    %dma_wait3A_458 = arith.constant 0 : i32
    %dma_wait3A_459 = tpu.memref_slice %arg4[%dma_wait3A_457, %dma_wait3A_458] : memref<2x20480xi32, #tpu.memory_space<vmem>> -> memref<2x20480xi32, #tpu.memory_space<vmem>>
    %dma_wait3A_460 = arith.constant 0 : i32
    %dma_wait3A_461 = tpu.memref_slice %arg3[%dma_wait3A_460, %add3A_455] : memref<2x6400000xi32, #tpu.memory_space<hbm>> -> memref<2x20480xi32, #tpu.memory_space<hbm>>
    %dma_wait3A_462 = tpu.memref_slice %arg8[%dma_wait3A_456] : memref<3x!tpu.dma_semaphore, #tpu.memory_space<semaphore_mem>> -> memref<1x!tpu.dma_semaphore, #tpu.memory_space<semaphore_mem>>
    %dma_wait3A_463 = tpu.memref_squeeze %dma_wait3A_462 : memref<1x!tpu.dma_semaphore, #tpu.memory_space<semaphore_mem>> -> memref<!tpu.dma_semaphore, #tpu.memory_space<semaphore_mem>>
    %dma_wait3A_464 = arith.constant 0 : i32
    %dma_wait3A_465 = tpu.memref_slice %arg3[%dma_wait3A_464, %add3A_455] : memref<2x6400000xi32, #tpu.memory_space<hbm>> -> memref<2x20480xi32, #tpu.memory_space<hbm>>
    %dma_wait3A_466 = arith.constant 0 : i32
    %dma_wait3A_467 = arith.constant 0 : i32
    %dma_wait3A_468 = tpu.memref_slice %arg4[%dma_wait3A_466, %dma_wait3A_467] : memref<2x20480xi32, #tpu.memory_space<vmem>> -> memref<2x20480xi32, #tpu.memory_space<vmem>>
    tpu.wait_dma2 semaphore(%dma_wait3A_463 : memref<!tpu.dma_semaphore, #tpu.memory_space<semaphore_mem>>) src(%dma_wait3A_468 : memref<2x20480xi32, #tpu.memory_space<vmem>>) dst(%dma_wait3A_465 : memref<2x20480xi32, #tpu.memory_space<hbm>>)
    %add3A_469 = arith.constant 184320 : i32
    %add3A_470 = arith.addi %multiple_of3A, %add3A_469 : i32
    %dma_start3A_471 = arith.constant 0 : i32
    %dma_start3A_472 = arith.constant 0 : i32
    %dma_start3A_473 = arith.constant 0 : i32
    %dma_start3A_474 = tpu.memref_slice %arg4[%dma_start3A_472, %dma_start3A_473] : memref<2x20480xi32, #tpu.memory_space<vmem>> -> memref<2x15744xi32, #tpu.memory_space<vmem>>
    %dma_start3A_475 = arith.constant 0 : i32
    %dma_start3A_476 = tpu.memref_slice %arg2[%dma_start3A_475, %add3A_470] : memref<2x6400000xi32, #tpu.memory_space<hbm>> -> memref<2x15744xi32, #tpu.memory_space<hbm>>
    %dma_start3A_477 = tpu.memref_slice %arg7[%dma_start3A_471] : memref<3x!tpu.dma_semaphore, #tpu.memory_space<semaphore_mem>> -> memref<1x!tpu.dma_semaphore, #tpu.memory_space<semaphore_mem>>
    %dma_start3A_478 = tpu.memref_squeeze %dma_start3A_477 : memref<1x!tpu.dma_semaphore, #tpu.memory_space<semaphore_mem>> -> memref<!tpu.dma_semaphore, #tpu.memory_space<semaphore_mem>>
    %dma_start3A_479 = arith.constant 0 : i32
    %dma_start3A_480 = arith.constant 0 : i32
    %dma_start3A_481 = tpu.memref_slice %arg4[%dma_start3A_479, %dma_start3A_480] : memref<2x20480xi32, #tpu.memory_space<vmem>> -> memref<2x15744xi32, #tpu.memory_space<vmem>>
    %dma_start3A_482 = arith.constant 0 : i32
    %dma_start3A_483 = tpu.memref_slice %arg2[%dma_start3A_482, %add3A_470] : memref<2x6400000xi32, #tpu.memory_space<hbm>> -> memref<2x15744xi32, #tpu.memory_space<hbm>>
    tpu.enqueue_dma source(%dma_start3A_483 : memref<2x15744xi32, #tpu.memory_space<hbm>>) target(%dma_start3A_481 : memref<2x15744xi32, #tpu.memory_space<vmem>>) target_semaphore(%dma_start3A_478 : memref<!tpu.dma_semaphore, #tpu.memory_space<semaphore_mem>>)
    %add3A_484 = arith.constant 143360 : i32
    %add3A_485 = arith.addi %multiple_of3A, %add3A_484 : i32
    %dma_start3A_486 = arith.constant 1 : i32
    %dma_start3A_487 = arith.constant 0 : i32
    %dma_start3A_488 = arith.constant 0 : i32
    %dma_start3A_489 = tpu.memref_slice %arg5[%dma_start3A_487, %dma_start3A_488] : memref<2x20480xi32, #tpu.memory_space<vmem>> -> memref<2x20480xi32, #tpu.memory_space<vmem>>
    %dma_start3A_490 = arith.constant 0 : i32
    %dma_start3A_491 = tpu.memref_slice %arg3[%dma_start3A_490, %add3A_485] : memref<2x6400000xi32, #tpu.memory_space<hbm>> -> memref<2x20480xi32, #tpu.memory_space<hbm>>
    %dma_start3A_492 = tpu.memref_slice %arg8[%dma_start3A_486] : memref<3x!tpu.dma_semaphore, #tpu.memory_space<semaphore_mem>> -> memref<1x!tpu.dma_semaphore, #tpu.memory_space<semaphore_mem>>
    %dma_start3A_493 = tpu.memref_squeeze %dma_start3A_492 : memref<1x!tpu.dma_semaphore, #tpu.memory_space<semaphore_mem>> -> memref<!tpu.dma_semaphore, #tpu.memory_space<semaphore_mem>>
    %dma_start3A_494 = arith.constant 0 : i32
    %dma_start3A_495 = tpu.memref_slice %arg3[%dma_start3A_494, %add3A_485] : memref<2x6400000xi32, #tpu.memory_space<hbm>> -> memref<2x20480xi32, #tpu.memory_space<hbm>>
    %dma_start3A_496 = arith.constant 0 : i32
    %dma_start3A_497 = arith.constant 0 : i32
    %dma_start3A_498 = tpu.memref_slice %arg5[%dma_start3A_496, %dma_start3A_497] : memref<2x20480xi32, #tpu.memory_space<vmem>> -> memref<2x20480xi32, #tpu.memory_space<vmem>>
    tpu.enqueue_dma source(%dma_start3A_498 : memref<2x20480xi32, #tpu.memory_space<vmem>>) target(%dma_start3A_495 : memref<2x20480xi32, #tpu.memory_space<hbm>>) target_semaphore(%dma_start3A_493 : memref<!tpu.dma_semaphore, #tpu.memory_space<semaphore_mem>>)
    %add3A_499 = arith.constant 163840 : i32
    %add3A_500 = arith.addi %multiple_of3A, %add3A_499 : i32
    %dma_wait3A_501 = arith.constant 2 : i32
    %dma_wait3A_502 = arith.constant 0 : i32
    %dma_wait3A_503 = arith.constant 0 : i32
    %dma_wait3A_504 = tpu.memref_slice %arg6[%dma_wait3A_502, %dma_wait3A_503] : memref<2x20480xi32, #tpu.memory_space<vmem>> -> memref<2x20480xi32, #tpu.memory_space<vmem>>
    %dma_wait3A_505 = arith.constant 0 : i32
    %dma_wait3A_506 = tpu.memref_slice %arg2[%dma_wait3A_505, %add3A_500] : memref<2x6400000xi32, #tpu.memory_space<hbm>> -> memref<2x20480xi32, #tpu.memory_space<hbm>>
    %dma_wait3A_507 = tpu.memref_slice %arg7[%dma_wait3A_501] : memref<3x!tpu.dma_semaphore, #tpu.memory_space<semaphore_mem>> -> memref<1x!tpu.dma_semaphore, #tpu.memory_space<semaphore_mem>>
    %dma_wait3A_508 = tpu.memref_squeeze %dma_wait3A_507 : memref<1x!tpu.dma_semaphore, #tpu.memory_space<semaphore_mem>> -> memref<!tpu.dma_semaphore, #tpu.memory_space<semaphore_mem>>
    %dma_wait3A_509 = arith.constant 0 : i32
    %dma_wait3A_510 = arith.constant 0 : i32
    %dma_wait3A_511 = tpu.memref_slice %arg6[%dma_wait3A_509, %dma_wait3A_510] : memref<2x20480xi32, #tpu.memory_space<vmem>> -> memref<2x20480xi32, #tpu.memory_space<vmem>>
    %dma_wait3A_512 = arith.constant 0 : i32
    %dma_wait3A_513 = tpu.memref_slice %arg2[%dma_wait3A_512, %add3A_500] : memref<2x6400000xi32, #tpu.memory_space<hbm>> -> memref<2x20480xi32, #tpu.memory_space<hbm>>
    tpu.wait_dma2 semaphore(%dma_wait3A_508 : memref<!tpu.dma_semaphore, #tpu.memory_space<semaphore_mem>>) src(%dma_wait3A_513 : memref<2x20480xi32, #tpu.memory_space<hbm>>) dst(%dma_wait3A_511 : memref<2x20480xi32, #tpu.memory_space<vmem>>)
    %add3A_514 = arith.constant 163840 : i32
    %add3A_515 = arith.addi %multiple_of3A, %add3A_514 : i32
    %dma_start3A_516 = arith.constant 2 : i32
    %dma_start3A_517 = arith.constant 0 : i32
    %dma_start3A_518 = arith.constant 0 : i32
    %dma_start3A_519 = tpu.memref_slice %arg6[%dma_start3A_517, %dma_start3A_518] : memref<2x20480xi32, #tpu.memory_space<vmem>> -> memref<2x20480xi32, #tpu.memory_space<vmem>>
    %dma_start3A_520 = arith.constant 0 : i32
    %dma_start3A_521 = tpu.memref_slice %arg3[%dma_start3A_520, %add3A_515] : memref<2x6400000xi32, #tpu.memory_space<hbm>> -> memref<2x20480xi32, #tpu.memory_space<hbm>>
    %dma_start3A_522 = tpu.memref_slice %arg8[%dma_start3A_516] : memref<3x!tpu.dma_semaphore, #tpu.memory_space<semaphore_mem>> -> memref<1x!tpu.dma_semaphore, #tpu.memory_space<semaphore_mem>>
    %dma_start3A_523 = tpu.memref_squeeze %dma_start3A_522 : memref<1x!tpu.dma_semaphore, #tpu.memory_space<semaphore_mem>> -> memref<!tpu.dma_semaphore, #tpu.memory_space<semaphore_mem>>
    %dma_start3A_524 = arith.constant 0 : i32
    %dma_start3A_525 = tpu.memref_slice %arg3[%dma_start3A_524, %add3A_515] : memref<2x6400000xi32, #tpu.memory_space<hbm>> -> memref<2x20480xi32, #tpu.memory_space<hbm>>
    %dma_start3A_526 = arith.constant 0 : i32
    %dma_start3A_527 = arith.constant 0 : i32
    %dma_start3A_528 = tpu.memref_slice %arg6[%dma_start3A_526, %dma_start3A_527] : memref<2x20480xi32, #tpu.memory_space<vmem>> -> memref<2x20480xi32, #tpu.memory_space<vmem>>
    tpu.enqueue_dma source(%dma_start3A_528 : memref<2x20480xi32, #tpu.memory_space<vmem>>) target(%dma_start3A_525 : memref<2x20480xi32, #tpu.memory_space<hbm>>) target_semaphore(%dma_start3A_523 : memref<!tpu.dma_semaphore, #tpu.memory_space<semaphore_mem>>)
    %add3A_529 = arith.constant 184320 : i32
    %add3A_530 = arith.addi %multiple_of3A, %add3A_529 : i32
    %dma_wait3A_531 = arith.constant 0 : i32
    %dma_wait3A_532 = arith.constant 0 : i32
    %dma_wait3A_533 = arith.constant 0 : i32
    %dma_wait3A_534 = tpu.memref_slice %arg4[%dma_wait3A_532, %dma_wait3A_533] : memref<2x20480xi32, #tpu.memory_space<vmem>> -> memref<2x15744xi32, #tpu.memory_space<vmem>>
    %dma_wait3A_535 = arith.constant 0 : i32
    %dma_wait3A_536 = tpu.memref_slice %arg2[%dma_wait3A_535, %add3A_530] : memref<2x6400000xi32, #tpu.memory_space<hbm>> -> memref<2x15744xi32, #tpu.memory_space<hbm>>
    %dma_wait3A_537 = tpu.memref_slice %arg7[%dma_wait3A_531] : memref<3x!tpu.dma_semaphore, #tpu.memory_space<semaphore_mem>> -> memref<1x!tpu.dma_semaphore, #tpu.memory_space<semaphore_mem>>
    %dma_wait3A_538 = tpu.memref_squeeze %dma_wait3A_537 : memref<1x!tpu.dma_semaphore, #tpu.memory_space<semaphore_mem>> -> memref<!tpu.dma_semaphore, #tpu.memory_space<semaphore_mem>>
    %dma_wait3A_539 = arith.constant 0 : i32
    %dma_wait3A_540 = arith.constant 0 : i32
    %dma_wait3A_541 = tpu.memref_slice %arg4[%dma_wait3A_539, %dma_wait3A_540] : memref<2x20480xi32, #tpu.memory_space<vmem>> -> memref<2x15744xi32, #tpu.memory_space<vmem>>
    %dma_wait3A_542 = arith.constant 0 : i32
    %dma_wait3A_543 = tpu.memref_slice %arg2[%dma_wait3A_542, %add3A_530] : memref<2x6400000xi32, #tpu.memory_space<hbm>> -> memref<2x15744xi32, #tpu.memory_space<hbm>>
    tpu.wait_dma2 semaphore(%dma_wait3A_538 : memref<!tpu.dma_semaphore, #tpu.memory_space<semaphore_mem>>) src(%dma_wait3A_543 : memref<2x15744xi32, #tpu.memory_space<hbm>>) dst(%dma_wait3A_541 : memref<2x15744xi32, #tpu.memory_space<vmem>>)
    %add3A_544 = arith.constant 184320 : i32
    %add3A_545 = arith.addi %multiple_of3A, %add3A_544 : i32
    %dma_start3A_546 = arith.constant 0 : i32
    %dma_start3A_547 = arith.constant 0 : i32
    %dma_start3A_548 = arith.constant 0 : i32
    %dma_start3A_549 = tpu.memref_slice %arg4[%dma_start3A_547, %dma_start3A_548] : memref<2x20480xi32, #tpu.memory_space<vmem>> -> memref<2x15744xi32, #tpu.memory_space<vmem>>
    %dma_start3A_550 = arith.constant 0 : i32
    %dma_start3A_551 = tpu.memref_slice %arg3[%dma_start3A_550, %add3A_545] : memref<2x6400000xi32, #tpu.memory_space<hbm>> -> memref<2x15744xi32, #tpu.memory_space<hbm>>
    %dma_start3A_552 = tpu.memref_slice %arg8[%dma_start3A_546] : memref<3x!tpu.dma_semaphore, #tpu.memory_space<semaphore_mem>> -> memref<1x!tpu.dma_semaphore, #tpu.memory_space<semaphore_mem>>
    %dma_start3A_553 = tpu.memref_squeeze %dma_start3A_552 : memref<1x!tpu.dma_semaphore, #tpu.memory_space<semaphore_mem>> -> memref<!tpu.dma_semaphore, #tpu.memory_space<semaphore_mem>>
    %dma_start3A_554 = arith.constant 0 : i32
    %dma_start3A_555 = tpu.memref_slice %arg3[%dma_start3A_554, %add3A_545] : memref<2x6400000xi32, #tpu.memory_space<hbm>> -> memref<2x15744xi32, #tpu.memory_space<hbm>>
    %dma_start3A_556 = arith.constant 0 : i32
    %dma_start3A_557 = arith.constant 0 : i32
    %dma_start3A_558 = tpu.memref_slice %arg4[%dma_start3A_556, %dma_start3A_557] : memref<2x20480xi32, #tpu.memory_space<vmem>> -> memref<2x15744xi32, #tpu.memory_space<vmem>>
    tpu.enqueue_dma source(%dma_start3A_558 : memref<2x15744xi32, #tpu.memory_space<vmem>>) target(%dma_start3A_555 : memref<2x15744xi32, #tpu.memory_space<hbm>>) target_semaphore(%dma_start3A_553 : memref<!tpu.dma_semaphore, #tpu.memory_space<semaphore_mem>>)
    %add3A_559 = arith.constant 143360 : i32
    %add3A_560 = arith.addi %multiple_of3A, %add3A_559 : i32
    %dma_wait3A_561 = arith.constant 1 : i32
    %dma_wait3A_562 = arith.constant 0 : i32
    %dma_wait3A_563 = arith.constant 0 : i32
    %dma_wait3A_564 = tpu.memref_slice %arg5[%dma_wait3A_562, %dma_wait3A_563] : memref<2x20480xi32, #tpu.memory_space<vmem>> -> memref<2x20480xi32, #tpu.memory_space<vmem>>
    %dma_wait3A_565 = arith.constant 0 : i32
    %dma_wait3A_566 = tpu.memref_slice %arg3[%dma_wait3A_565, %add3A_560] : memref<2x6400000xi32, #tpu.memory_space<hbm>> -> memref<2x20480xi32, #tpu.memory_space<hbm>>
    %dma_wait3A_567 = tpu.memref_slice %arg8[%dma_wait3A_561] : memref<3x!tpu.dma_semaphore, #tpu.memory_space<semaphore_mem>> -> memref<1x!tpu.dma_semaphore, #tpu.memory_space<semaphore_mem>>
    %dma_wait3A_568 = tpu.memref_squeeze %dma_wait3A_567 : memref<1x!tpu.dma_semaphore, #tpu.memory_space<semaphore_mem>> -> memref<!tpu.dma_semaphore, #tpu.memory_space<semaphore_mem>>
    %dma_wait3A_569 = arith.constant 0 : i32
    %dma_wait3A_570 = tpu.memref_slice %arg3[%dma_wait3A_569, %add3A_560] : memref<2x6400000xi32, #tpu.memory_space<hbm>> -> memref<2x20480xi32, #tpu.memory_space<hbm>>
    %dma_wait3A_571 = arith.constant 0 : i32
    %dma_wait3A_572 = arith.constant 0 : i32
    %dma_wait3A_573 = tpu.memref_slice %arg5[%dma_wait3A_571, %dma_wait3A_572] : memref<2x20480xi32, #tpu.memory_space<vmem>> -> memref<2x20480xi32, #tpu.memory_space<vmem>>
    tpu.wait_dma2 semaphore(%dma_wait3A_568 : memref<!tpu.dma_semaphore, #tpu.memory_space<semaphore_mem>>) src(%dma_wait3A_573 : memref<2x20480xi32, #tpu.memory_space<vmem>>) dst(%dma_wait3A_570 : memref<2x20480xi32, #tpu.memory_space<hbm>>)
    %add3A_574 = arith.constant 163840 : i32
    %add3A_575 = arith.addi %multiple_of3A, %add3A_574 : i32
    %dma_wait3A_576 = arith.constant 2 : i32
    %dma_wait3A_577 = arith.constant 0 : i32
    %dma_wait3A_578 = arith.constant 0 : i32
    %dma_wait3A_579 = tpu.memref_slice %arg6[%dma_wait3A_577, %dma_wait3A_578] : memref<2x20480xi32, #tpu.memory_space<vmem>> -> memref<2x20480xi32, #tpu.memory_space<vmem>>
    %dma_wait3A_580 = arith.constant 0 : i32
    %dma_wait3A_581 = tpu.memref_slice %arg3[%dma_wait3A_580, %add3A_575] : memref<2x6400000xi32, #tpu.memory_space<hbm>> -> memref<2x20480xi32, #tpu.memory_space<hbm>>
    %dma_wait3A_582 = tpu.memref_slice %arg8[%dma_wait3A_576] : memref<3x!tpu.dma_semaphore, #tpu.memory_space<semaphore_mem>> -> memref<1x!tpu.dma_semaphore, #tpu.memory_space<semaphore_mem>>
    %dma_wait3A_583 = tpu.memref_squeeze %dma_wait3A_582 : memref<1x!tpu.dma_semaphore, #tpu.memory_space<semaphore_mem>> -> memref<!tpu.dma_semaphore, #tpu.memory_space<semaphore_mem>>
    %dma_wait3A_584 = arith.constant 0 : i32
    %dma_wait3A_585 = tpu.memref_slice %arg3[%dma_wait3A_584, %add3A_575] : memref<2x6400000xi32, #tpu.memory_space<hbm>> -> memref<2x20480xi32, #tpu.memory_space<hbm>>
    %dma_wait3A_586 = arith.constant 0 : i32
    %dma_wait3A_587 = arith.constant 0 : i32
    %dma_wait3A_588 = tpu.memref_slice %arg6[%dma_wait3A_586, %dma_wait3A_587] : memref<2x20480xi32, #tpu.memory_space<vmem>> -> memref<2x20480xi32, #tpu.memory_space<vmem>>
    tpu.wait_dma2 semaphore(%dma_wait3A_583 : memref<!tpu.dma_semaphore, #tpu.memory_space<semaphore_mem>>) src(%dma_wait3A_588 : memref<2x20480xi32, #tpu.memory_space<vmem>>) dst(%dma_wait3A_585 : memref<2x20480xi32, #tpu.memory_space<hbm>>)
    %add3A_589 = arith.constant 184320 : i32
    %add3A_590 = arith.addi %multiple_of3A, %add3A_589 : i32
    %dma_wait3A_591 = arith.constant 0 : i32
    %dma_wait3A_592 = arith.constant 0 : i32
    %dma_wait3A_593 = arith.constant 0 : i32
    %dma_wait3A_594 = tpu.memref_slice %arg4[%dma_wait3A_592, %dma_wait3A_593] : memref<2x20480xi32, #tpu.memory_space<vmem>> -> memref<2x15744xi32, #tpu.memory_space<vmem>>
    %dma_wait3A_595 = arith.constant 0 : i32
    %dma_wait3A_596 = tpu.memref_slice %arg3[%dma_wait3A_595, %add3A_590] : memref<2x6400000xi32, #tpu.memory_space<hbm>> -> memref<2x15744xi32, #tpu.memory_space<hbm>>
    %dma_wait3A_597 = tpu.memref_slice %arg8[%dma_wait3A_591] : memref<3x!tpu.dma_semaphore, #tpu.memory_space<semaphore_mem>> -> memref<1x!tpu.dma_semaphore, #tpu.memory_space<semaphore_mem>>
    %dma_wait3A_598 = tpu.memref_squeeze %dma_wait3A_597 : memref<1x!tpu.dma_semaphore, #tpu.memory_space<semaphore_mem>> -> memref<!tpu.dma_semaphore, #tpu.memory_space<semaphore_mem>>
    %dma_wait3A_599 = arith.constant 0 : i32
    %dma_wait3A_600 = tpu.memref_slice %arg3[%dma_wait3A_599, %add3A_590] : memref<2x6400000xi32, #tpu.memory_space<hbm>> -> memref<2x15744xi32, #tpu.memory_space<hbm>>
    %dma_wait3A_601 = arith.constant 0 : i32
    %dma_wait3A_602 = arith.constant 0 : i32
    %dma_wait3A_603 = tpu.memref_slice %arg4[%dma_wait3A_601, %dma_wait3A_602] : memref<2x20480xi32, #tpu.memory_space<vmem>> -> memref<2x15744xi32, #tpu.memory_space<vmem>>
    tpu.wait_dma2 semaphore(%dma_wait3A_598 : memref<!tpu.dma_semaphore, #tpu.memory_space<semaphore_mem>>) src(%dma_wait3A_603 : memref<2x15744xi32, #tpu.memory_space<vmem>>) dst(%dma_wait3A_600 : memref<2x15744xi32, #tpu.memory_space<hbm>>)
    return
  }
}

</mosaic_0001>

<sc_bundles>
// kernel: kernel.3.cloned.1.call-start
scs
__scs_entry_jumppad:
0x0: {  	(pc) =	sbr.rel $0x88, $3  }
0x1: {  	(tag) =	ssettag $0x0;
	lr =	simm.s32 $0x1  }
0x2: {  	[smem:$0x3FA0] =	sst lr;
	_ =	strace $0xD0000000  }
0x3: {  	_ = 	snop  }
0x4: {  	_ = 	snop  }
0x5: {  	_ = 	snop  }
0x6: {  	_ = 	snop  }
0x7: {  	_ = 	snop  }
__scs_overlays_trampoline_lowered:
0x8: {  	[smem:$0x3FAF] =	sst s0  }
0x9: {  	[smem:$0x3FB0] =	sst s1  }
0xa: {  	[smem:$0x3FB1] =	sst s2  }
0xb: {  	[smem:$0x3FB2] =	sst s3  }
0xc: {  	[smem:$0x3FB3] =	sst s4  }
0xd: {  	[smem:$0x3FB4] =	sst s5  }
0xe: {  	[smem:$0x3FB5] =	sst s6  }
0xf: {  	[smem:$0x3FB6] =	sst s7  }
0x10: {  	[smem:$0x3FB7] =	sst s8  }
0x11: {  	[smem:$0x3FB8] =	sst s9;
	s0 =	simm.s32 @!p0 $0x0  }
0x12: {  	s1 =	sld [smem:$0x3F9E];
	s0 =	simm.s32 @p0 $0x1  }
0x13: {  	[smem:$0x3FB9] =	sst s0;
	s0 =	simm.s32 @!p1 $0x0  }
0x14: {  	s2 =	sld [smem:$0x3F9D];
	s0 =	simm.s32 @p1 $0x1  }
0x15: {  	[smem:$0x3FBA] =	sst s0;
	s0 =	simm.s32 @!p2 $0x0  }
0x16: {  	s3 =	sld [smem:$0x3FDB];
	s0 =	simm.s32 @p2 $0x1  }
0x17: {  	s4 =	simm.s32 $0x1BF5;
	[smem:$0x3FBC] =	sst s0  }
0x18: {  	s0 =	sld [smem:$0x3F9F];
	_ =	swait.ge [sflag:s4], $0x0  }
0x19: {  	s7 =	sld [smem:$0x3FA0]  }
0x1a: {  	s8 =	sadd.s32 $0xFFFFE003, lr  }
0x1b: {  	s9 =	sadd.s32 $0xFFFFFEF7, lr;
	s5 =	simm.s32 $0xFFFFFFFF;
	p2 =	slt.u32 s8, $0xFFFFF086  }
0x1c: {  	p1 =	slt.u32 s9, $0xF7A;
	s5 =	simm.s32 @!p2 $0x0  }
0x1d: {  	s5 =	simm.s32 @p1 $0x1;
	p0 =	seq.s32 s7, s2  }
0x1e: {  	s7 =	smul.u32 @!p0 $0xF7A, s2;
	p2 =	seq.s32 @!p0 s5, $0x0  }
0x1f: {  	s9 =	smul.u32 $0xF7A, s1;
	s8 =	simm.s32 @!p0 $0x1BF5;
	p2 =	por !p2, p0  }
0x20: {  	[sflag:s8] =	ssyncset.s32 @!p0 $0xFFFFF086;
	s6 =	sadd.s32 @!p0 s3, s7;
	s7 =	simm.s32 @!p0 $0x108  }
0x21: {  	s3 =	sadd.s32 s3, s9;
	s6 =	sadd.s32 @!p0 $0x88, s6;
	s7 =	simm.s32 @p2 $0x1082  }
0x22: {  	[simem:s7], [sflag:s8] =	dma.local @!p0 [hbm:s6], $0xF7A  }
0x23: {  	s9 =	sor.u32 $0xD0000000, s2;
	s6 =	simm.s32 $0x108;
	_ =	swait.ge @!p0 [sflag:s8], $0x0  }
0x24: {  	s3 =	sadd.s32 $0x88, s3;
	s6 =	simm.s32 @!p1 $0x1082;
	[sflag:s4] =	ssyncset.s32 $0xFFFFF086  }
0x25: {  	[simem:s6], [sflag:s4] =	dma.local [hbm:s3], $0xF7A  }
0x26: {  	[smem:$0x3FA0] =	sst s1;
	(tag) =	ssettag s2;
	_ =	strace s9  }
0x27: {  	s1 =	sld [smem:$0x3FB0]  }
0x28: {  	s2 =	sld [smem:$0x3FB1]  }
0x29: {  	s4 =	sld [smem:$0x3FB3]  }
0x2a: {  	p0 =	seq.s32 s5, $0x0;
	s5 =	sld [smem:$0x3FB4]  }
0x2b: {  	s6 =	sld [smem:$0x3FB5]  }
0x2c: {  	s7 =	sld [smem:$0x3FB6]  }
0x2d: {  	s3 =	simm.s32 $0x108;
	s8 =	sld [smem:$0x3FB7]  }
0x2e: {  	s3 =	simm.s32 @!p0 $0x1082;
	s9 =	sld [smem:$0x3FB8]  }
0x2f: {  	lr =	sadd.s32 s0, s3;
	s0 =	sld [smem:$0x3FAF]  }
0x30: {  	s3 =	sld [smem:$0x3FB2]  }
0x31: {  	[smem:$0x3FBB] =	sst s10  }
0x32: {  	s10 =	sld [smem:$0x3FB9];
	_ =	sdelay $0x3  }
0x33: {  	p0 =	seq.s32 s10, $0x1;
	s10 =	sld [smem:$0x3FBB];
	_ =	sdelay $0x3  }
0x34: {  	[smem:$0x3FBB] =	sst s10  }
0x35: {  	s10 =	sld [smem:$0x3FBA];
	_ =	sdelay $0x3  }
0x36: {  	p1 =	seq.s32 s10, $0x1;
	s10 =	sld [smem:$0x3FBB];
	_ =	sdelay $0x3  }
0x37: {  	[smem:$0x3FBB] =	sst s10  }
0x38: {  	s10 =	sld [smem:$0x3FBC]  }
0x39: {  	_ = 	snop;
	(pc) =	sbr.ind lr, $3  }
0x3a: {  	_ = 	snop  }
0x3b: {  	_ = 	snop  }
0x3c: {  	p2 =	seq.s32 s10, $0x1;
	s10 =	sld [smem:$0x3FBB]  }
0x3d: {  	_ =	shalt  }
0x3e: {  	_ =	shalt  }
0x3f: {  	_ =	shalt  }
0x40: {  	_ =	shalt  }
0x41: {  	_ =	shalt  }
0x42: {  	_ =	shalt  }
0x43: {  	_ =	shalt  }
0x44: {  	_ =	shalt  }
0x45: {  	_ =	shalt  }
0x46: {  	_ =	shalt  }
0x47: {  	_ =	shalt  }
0x48: {  	_ =	shalt  }
0x49: {  	_ =	shalt  }
0x4a: {  	_ =	shalt  }
0x4b: {  	_ =	shalt  }
0x4c: {  	_ =	shalt  }
0x4d: {  	_ =	shalt  }
0x4e: {  	_ =	shalt  }
0x4f: {  	_ =	shalt  }
0x50: {  	_ =	shalt  }
0x51: {  	_ =	shalt  }
0x52: {  	_ =	shalt  }
0x53: {  	_ =	shalt  }
0x54: {  	_ =	shalt  }
0x55: {  	_ =	shalt  }
0x56: {  	_ =	shalt  }
0x57: {  	_ =	shalt  }
0x58: {  	_ =	shalt  }
0x59: {  	_ =	shalt  }
0x5a: {  	_ =	shalt  }
0x5b: {  	_ =	shalt  }
0x5c: {  	_ =	shalt  }
0x5d: {  	_ =	shalt  }
0x5e: {  	_ =	shalt  }
0x5f: {  	_ =	shalt  }
0x60: {  	_ =	shalt  }
0x61: {  	_ =	shalt  }
0x62: {  	_ =	shalt  }
0x63: {  	_ =	shalt  }
0x64: {  	_ =	shalt  }
0x65: {  	_ =	shalt  }
0x66: {  	_ =	shalt  }
0x67: {  	_ =	shalt  }
0x68: {  	_ =	shalt  }
0x69: {  	_ =	shalt  }
0x6a: {  	_ =	shalt  }
0x6b: {  	_ =	shalt  }
0x6c: {  	_ =	shalt  }
0x6d: {  	_ =	shalt  }
0x6e: {  	_ =	shalt  }
0x6f: {  	_ =	shalt  }
0x70: {  	_ =	shalt  }
0x71: {  	_ =	shalt  }
0x72: {  	_ =	shalt  }
0x73: {  	_ =	shalt  }
0x74: {  	_ =	shalt  }
0x75: {  	_ =	shalt  }
0x76: {  	_ =	shalt  }
0x77: {  	_ =	shalt  }
0x78: {  	_ =	shalt  }
0x79: {  	_ =	shalt  }
0x7a: {  	_ =	shalt  }
0x7b: {  	_ =	shalt  }
0x7c: {  	_ =	shalt  }
0x7d: {  	_ =	shalt  }
0x7e: {  	_ =	shalt  }
0x7f: {  	_ =	shalt  }
0x80: {  	_ =	shalt  }
0x81: {  	_ =	shalt  }
0x82: {  	_ =	shalt  }
0x83: {  	_ =	shalt  }
0x84: {  	_ =	shalt  }
0x85: {  	_ =	shalt  }
0x86: {  	_ =	shalt  }
0x87: {  	_ =	shalt  }
.Lfunc_end0:
.L_simem_size_0:
called_computation_lowered:
.L_overlay_start_0:
0x88: {  	s2 =	sld [smem:$0x3FD9]  }
0x89: {  	s3 =	sld [smem:$0x3FFE];
	_ =	sdelay $0x1  }
0x8a: {  	s1 =	srdreg.scid  }
0x8b: {  	s0 =	sand.u32 $0x1, s1  }
0x8c: {  	s18 =	sshll.u32 s0, $0xA;
	s2 =	sadd.s32 s3, s2  }
0x8d: {  	s2 =	sadd.s32 s2, s18  }
0x8e: {  	[smem:$0x3FC7] =	sst s2  }
0x8f: {  	_ = 	snop  }
0x90: {  	s2 =	sld [smem:$0x3FC9]  }
0x91: {  	s19 =	sld [smem:$0x3FD0];
	(tm) =	ssettm $0x1  }
0x92: {  	s4 =	sld [smem:$0x3FFB];
	_ =	sdelay $0x3  }
0x93: {  	_ =	strace s4  }
0x94: {  	s4 =	sld [smem:$0x3FFC];
	_ =	sdelay $0x3  }
0x95: {  	_ =	strace s4  }
0x96: {  	s4 =	sld [smem:$0x3FFD];
	_ =	sdelay $0x3  }
0x97: {  	_ =	strace s4  }
0x98: {  	_ =	strace $0x8FFFFFFF  }
0x99: {  	s20 =	sld [smem:$0x3FDB];
	_ =	sdelay $0x1  }
0x9a: {  	s5 =	simm.s32 $_scs_section_size  }
0x9b: {  	s6 =	simm.s32 $_size__tile_overlayer_lowered;
	s7 =	simm.s32 $_tile_overlayer_lowered  }
0x9c: {  	s23 =	simm.s32 $0x1BFF;
	s22 =	sshll.u32 s7, $0x1;
	s4 =	sadd.s32 s5, s20  }
0x9d: {  	s8 =	simm.s32 $0x0;
	s21 =	sshll.u32 s6, $0x1;
	s6 =	sadd.s32 s22, s4  }
0x9e: {  	[timem:s8], [sflag:s23] =	dma.local [hbm:s6], s21  }
0x9f: {  	_ =	swait.ge [sflag:s23], s21  }
0xa0: {  	s5 =	ssub.s32 $0x0, s21;
	[sflag:s23] =	ssyncset.done $0x0  }
0xa1: {  	[sflag:s23] =	ssyncadd.s32 s5;
	_ =	sdelay $0x1  }
0xa2: {  	s24 =	simm.s32 $0x1B8B  }
0xa3: {  	_ =	swait.ge [sflag:s24], $0x1  }
0xa4: {  	[sflag:s24] =	ssyncset.done $0x0  }
0xa5: {  	s25 =	simm.s32 $0x1B8E;
	[sflag:s24] =	ssyncadd.s32 $0xFFFFFFFF  }
0xa6: {  	s26 =	simm.s32 $execute0_lowered;
	[smem:$0x3FD2] =	sst s25  }
0xa7: {  	s5 =	sshll.u32 s26, $0x1;
	_ =	strace $0x80000046;
	[dreg:$0x1] =	wrdreg $0xFFFFFFFF  }
0xa8: {  	s28 =	simm.s32 $_size_execute0_lowered;
	s4 =	sadd.s32 s4, s5;
	[dreg:$0x0] =	wrdreg $0x0  }
0xa9: {  	s5 =	sshll.u32 s28, $0x1;
	[dreg:$0x2] =	wrdreg s4  }
0xaa: {  	[dreg:$0x3] =	wrdreg s5  }
0xab: {  	[dreg:$0x4] =	wrdreg $0xC0  }
0xac: {  	_ =	task [dreg:s8], $0x5FFFF  }
0xad: {  	[dreg:$0x1] =	wrdreg $0xFFFFFFFF  }
0xae: {  	[dreg:$0x0] =	wrdreg $0x60  }
0xaf: {  	[dreg:$0x2] =	wrdreg s2  }
0xb0: {  	[dreg:$0x3] =	wrdreg s19  }
0xb1: {  	[dreg:$0x4] =	wrdreg $0x9  }
0xb2: {  	_ =	task.clear_ibuf [dreg:s8], $0x5FFFF;
	_ =	strace $0x90000046  }
0xb3: {  	s29 =	simm.s32 $0x9;
	_ =	strace $0x80000048  }
0xb4: {  	_ =	swait.ge [sflag:s29], $0x1  }
0xb5: {  	[sflag:s29] =	ssyncadd.s32 $0xFFFFFFFF  }
0xb6: {  	_ =	strace $0x90000048  }
0xb7: {  	_ =	sfence  }
0xb8: {  	s30 =	sld [smem:$0x0];
	_ =	sdelay $0x2  }
0xb9: {  	s31 =	sshll.u32 s1, $0xD;
	s1 =	sshrl.u32 s1, $0x2  }
0xba: {  	s3 =	sand.u32 $0x4000, s31;
	s1 =	sadd.s32 s1, s30  }
0xbb: {  	s0 =	sor.u32 s3, s0;
	s1 =	sshll.u32 s1, $0x11  }
0xbc: {  	s0 =	sor.u32 s1, s0  }
0xbd: {  	s0 =	sadd.s32 $0x8F2B, s0  }
0xbe: {  	[sflag:s0] =	ssyncadd.remote.s32 $0x1  }
0xbf: {  	_ =	sfence.sel $0xFFFF  }
0xc0: {  	[dreg:$0x0] =	wrdreg $0xFFFFFFFF;
	(pc) =	sbr.abs _section_cstart, $3  }
0xc1: {  	[dreg:$0x1] =	wrdreg $0xFFFFFFFF  }
0xc2: {  	_ =	task.clear_ibuf [dreg:s8], $0x2FFFF;
	_ =	strace $0x9FFFFFFF  }
0xc3: {  	(tm) =	ssettm $0x7FFFFFFF  }
tec
execute0_lowered:
.L_overlay_start_1:
0x0: {  	(tag) =	ssettag $0x1  }
0x1: {  	s1 =	srdreg.scid  }
0x2: {  	s0 =	stileid.u32;
	s3 =	rddreg [dreg:$0x0]  }
0x3: {  	s4 =	rddreg [dreg:$0x1];
	s1 =	sand.u32 $0x1, s1;
	s2 =	sshll.u32 s0, $0x1  }
0x4: {  	p0 =	por $0x0, $0x0;
	s2 =	sor.u32 s1, s2;
	s1 =	ssub.s32 $0x2, s1  }
0x5: {  	s5 =	smul.u32 $0x61B, s2;
	s2 =	simm.s32 $0x0;
	s6 =	sshrl.u32 s1, $0x1  }
0x6: {  	[smem:$0x7FF] =	sst s2;
	s1 =	ssub.s32 s1, s6;
	s6 =	simm.s32 $0x1  }
0x7: {  	s5 =	smin.u32 s5, $0xBD35;
	_ =	strace $0x80000047;
	s1 =	smax.u32 s1, $0x1  }
0x8: {  	s5 =	sshll.u32 s5, $0x5;
	p1 =	sne.s32 s1, $0x1;
	s31 =	sadd.s32 $0xFFFFFFFF, s1  }
0x9: {  	s25 =	sadd.s32 s3, s5;
	s26 =	sadd.s32 $0x1400, s5;
	s7 =	sadd.s32 $0x2800, s5  }
0xa: {  	s8 =	sadd.s32 $0x3C00, s5;
	s29 =	sadd.s32 s4, s5;
	s9 =	sadd.s32 $0x5000, s5  }
0xb: {  	s10 =	sadd.s32 $0x6400, s5;
	s11 =	sadd.s32 $0x7800, s5;
	s12 =	sadd.s32 $0x8C00, s5  }
0xc: {  	s15 =	sadd.s32 $0xA000, s5;
	s19 =	sadd.s32 $0xB400, s5;
	[dreg:$0x3] =	wrdreg s25  }
0xd: {  	s30 =	sadd.s32 s3, s26;
	s28 =	sadd.s32 s3, s7;
	s25 =	sadd.s32 s3, s8  }
0xe: {  	s26 =	sadd.s32 s4, s26;
	s23 =	sadd.s32 s3, s9;
	s24 =	sadd.s32 s4, s7  }
0xf: {  	s21 =	sadd.s32 s3, s10;
	s22 =	sadd.s32 s4, s8;
	s18 =	sadd.s32 s3, s11  }
0x10: {  	s20 =	sadd.s32 s4, s9;
	s16 =	sadd.s32 s3, s12;
	s17 =	sadd.s32 s4, s10  }
.Ltmp0:
0x11: {  	s13 =	sadd.s32 s3, s15;
	s14 =	sadd.s32 s4, s11;
	(pc) =	sbr.rel @!p1 .LBB2_3-.Ltmp0, $4  }
0x12: {  	s7 =	sadd.s32 s3, s19;
	s8 =	sadd.s32 s4, s12;
	s5 =	sadd.s32 s4, s15  }
0x13: {  	s3 =	sadd.s32 s4, s19;
	s12 =	simm.s32 $0xA000;
	s10 =	simm.s32 $0x14000  }
0x14: {  	s19 =	simm.s32 $0x2;
	s4 =	simm.s32 $0x4;
	s15 =	simm.s32 $0x3  }
0x15: {  	s11 =	simm.s32 $0x5;
	s9 =	simm.s32 $0x6;
	s1 =	rddreg [dreg:$0x3]  }
0x16: {  	[tilespmem:s2], [sflag:$0x1] =	stream.linear.gather [hbm4b:s1+s2], $0xA000, $0x38;
	[tilespmem:$0x1E000] =	vst v63  }
0x17: {  	_ = 	snop  }
0x18: {  	[tilespmem:s12], [sflag:$0x2] =	stream.linear.gather [hbm4b:s30+s2], $0xA000, $0x38;
	[tilespmem:$0x1E000] =	vst v63  }
0x19: {  	_ =	swait.ge [sflag:s6], $0xA000  }
0x1a: {  	[sflag:s6] =	ssyncset.done $0x0  }
0x1b: {  	[sflag:s6] =	ssyncadd.s32 $0xFFFF6000  }
0x1c: {  	[tilespmem:s10], [sflag:$0x3] =	stream.linear.gather [hbm4b:s28+s2], $0xA000, $0x38;
	[tilespmem:$0x1E000] =	vst v63  }
0x1d: {  	_ = 	snop  }
0x1e: {  	[hbm4b:s29+s2] =	stream.linear.scatter [tilespmem:s2], [sflag:$0x4], $0xA000, $0x38;
	[tilespmem:$0x1E000] =	vst v63  }
0x1f: {  	_ =	swait.ge [sflag:s19], $0xA000  }
0x20: {  	[sflag:s19] =	ssyncset.done $0x0  }
0x21: {  	[sflag:s19] =	ssyncadd.s32 $0xFFFF6000  }
0x22: {  	_ =	swait.ge [sflag:s4], $0xA000  }
0x23: {  	[sflag:s4] =	ssyncset.done $0x0  }
0x24: {  	[sflag:s4] =	ssyncadd.s32 $0xFFFF6000  }
0x25: {  	[tilespmem:s2], [sflag:$0x1] =	stream.linear.gather [hbm4b:s25+s2], $0xA000, $0x38;
	[tilespmem:$0x1E000] =	vst v63  }
0x26: {  	_ = 	snop  }
0x27: {  	[hbm4b:s26+s2] =	stream.linear.scatter [tilespmem:s12], [sflag:$0x5], $0xA000, $0x38;
	[tilespmem:$0x1E000] =	vst v63  }
0x28: {  	_ =	swait.ge [sflag:s15], $0xA000  }
0x29: {  	[sflag:s15] =	ssyncset.done $0x0  }
0x2a: {  	[sflag:s15] =	ssyncadd.s32 $0xFFFF6000  }
0x2b: {  	_ =	swait.ge [sflag:s11], $0xA000  }
0x2c: {  	[sflag:s11] =	ssyncset.done $0x0  }
0x2d: {  	[sflag:s11] =	ssyncadd.s32 $0xFFFF6000  }
0x2e: {  	[tilespmem:s12], [sflag:$0x2] =	stream.linear.gather [hbm4b:s23+s2], $0xA000, $0x38;
	[tilespmem:$0x1E000] =	vst v63  }
0x2f: {  	_ = 	snop  }
0x30: {  	[hbm4b:s24+s2] =	stream.linear.scatter [tilespmem:s10], [sflag:$0x6], $0xA000, $0x38;
	[tilespmem:$0x1E000] =	vst v63  }
0x31: {  	_ =	swait.ge [sflag:s6], $0xA000  }
0x32: {  	[sflag:s6] =	ssyncset.done $0x0  }
0x33: {  	[sflag:s6] =	ssyncadd.s32 $0xFFFF6000  }
0x34: {  	_ =	swait.ge [sflag:s9], $0xA000  }
0x35: {  	[sflag:s9] =	ssyncset.done $0x0  }
0x36: {  	[sflag:s9] =	ssyncadd.s32 $0xFFFF6000  }
0x37: {  	[tilespmem:s10], [sflag:$0x3] =	stream.linear.gather [hbm4b:s21+s2], $0xA000, $0x38;
	[tilespmem:$0x1E000] =	vst v63  }
0x38: {  	_ = 	snop  }
0x39: {  	[hbm4b:s22+s2] =	stream.linear.scatter [tilespmem:s2], [sflag:$0x4], $0xA000, $0x38;
	[tilespmem:$0x1E000] =	vst v63  }
0x3a: {  	_ =	swait.ge [sflag:s19], $0xA000  }
0x3b: {  	[sflag:s19] =	ssyncset.done $0x0  }
0x3c: {  	[sflag:s19] =	ssyncadd.s32 $0xFFFF6000  }
0x3d: {  	_ =	swait.ge [sflag:s4], $0xA000  }
0x3e: {  	[sflag:s4] =	ssyncset.done $0x0  }
0x3f: {  	[sflag:s4] =	ssyncadd.s32 $0xFFFF6000  }
0x40: {  	[tilespmem:s2], [sflag:$0x1] =	stream.linear.gather [hbm4b:s18+s2], $0xA000, $0x38;
	[tilespmem:$0x1E000] =	vst v63  }
0x41: {  	_ = 	snop  }
0x42: {  	[hbm4b:s20+s2] =	stream.linear.scatter [tilespmem:s12], [sflag:$0x5], $0xA000, $0x38;
	[tilespmem:$0x1E000] =	vst v63  }
0x43: {  	_ =	swait.ge [sflag:s15], $0xA000  }
0x44: {  	[sflag:s15] =	ssyncset.done $0x0  }
0x45: {  	[sflag:s15] =	ssyncadd.s32 $0xFFFF6000  }
0x46: {  	_ =	swait.ge [sflag:s11], $0xA000  }
0x47: {  	[sflag:s11] =	ssyncset.done $0x0  }
0x48: {  	[sflag:s11] =	ssyncadd.s32 $0xFFFF6000  }
0x49: {  	[tilespmem:s12], [sflag:$0x2] =	stream.linear.gather [hbm4b:s16+s2], $0xA000, $0x38;
	[tilespmem:$0x1E000] =	vst v63  }
0x4a: {  	_ = 	snop  }
0x4b: {  	[hbm4b:s17+s2] =	stream.linear.scatter [tilespmem:s10], [sflag:$0x6], $0xA000, $0x38;
	[tilespmem:$0x1E000] =	vst v63  }
0x4c: {  	_ =	swait.ge [sflag:s6], $0xA000  }
0x4d: {  	[sflag:s6] =	ssyncset.done $0x0  }
0x4e: {  	[sflag:s6] =	ssyncadd.s32 $0xFFFF6000  }
0x4f: {  	_ =	swait.ge [sflag:s9], $0xA000  }
0x50: {  	[sflag:s9] =	ssyncset.done $0x0  }
0x51: {  	[sflag:s9] =	ssyncadd.s32 $0xFFFF6000  }
0x52: {  	[tilespmem:s10], [sflag:$0x3] =	stream.linear.gather [hbm4b:s13+s2], $0xA000, $0x38;
	[tilespmem:$0x1E000] =	vst v63  }
0x53: {  	_ = 	snop  }
0x54: {  	[hbm4b:s14+s2] =	stream.linear.scatter [tilespmem:s2], [sflag:$0x4], $0xA000, $0x38;
	[tilespmem:$0x1E000] =	vst v63  }
0x55: {  	_ =	swait.ge [sflag:s19], $0xA000  }
0x56: {  	[sflag:s19] =	ssyncset.done $0x0  }
0x57: {  	[sflag:s19] =	ssyncadd.s32 $0xFFFF6000  }
0x58: {  	_ =	swait.ge [sflag:s4], $0xA000  }
0x59: {  	[sflag:s4] =	ssyncset.done $0x0  }
0x5a: {  	[sflag:s4] =	ssyncadd.s32 $0xFFFF6000  }
0x5b: {  	[tilespmem:s2], [sflag:$0x1] =	stream.linear.gather [hbm4b:s7+s2], $0x7B00, $0x38;
	[tilespmem:$0x1E000] =	vst v63  }
0x5c: {  	_ = 	snop  }
0x5d: {  	[hbm4b:s8+s2] =	stream.linear.scatter [tilespmem:s12], [sflag:$0x5], $0xA000, $0x38;
	[tilespmem:$0x1E000] =	vst v63  }
0x5e: {  	_ =	swait.ge [sflag:s15], $0xA000  }
0x5f: {  	[sflag:s15] =	ssyncset.done $0x0  }
0x60: {  	[sflag:s15] =	ssyncadd.s32 $0xFFFF6000  }
0x61: {  	[hbm4b:s5+s2] =	stream.linear.scatter [tilespmem:s10], [sflag:$0x6], $0xA000, $0x38;
	[tilespmem:$0x1E000] =	vst v63  }
0x62: {  	_ =	swait.ge [sflag:s6], $0x7B00  }
0x63: {  	[sflag:s6] =	ssyncset.done $0x0  }
0x64: {  	[sflag:s6] =	ssyncadd.s32 $0xFFFF8500  }
0x65: {  	[hbm4b:s3+s2] =	stream.linear.scatter [tilespmem:s2], [sflag:$0x4], $0x7B00, $0x38;
	[tilespmem:$0x1E000] =	vst v63  }
0x66: {  	_ =	swait.ge [sflag:s11], $0xA000  }
0x67: {  	[sflag:s11] =	ssyncset.done $0x0  }
0x68: {  	p1 =	sne.s32 s31, $0x1;
	[sflag:s11] =	ssyncadd.s32 $0xFFFF6000  }
.Ltmp1:
0x69: {  	_ =	swait.ge [sflag:s9], $0xA000;
	(pc) =	sbr.rel @!p1 .LBB2_3-.Ltmp1, $4  }
0x6a: {  	[sflag:s9] =	ssyncset.done $0x0  }
0x6b: {  	[sflag:s9] =	ssyncadd.s32 $0xFFFF6000  }
0x6c: {  	s31 =	sadd.s32 $0xFFFFFFFF, s31;
	_ =	swait.ge [sflag:s4], $0x7B00  }
0x6d: {  	p0 =	por $0x1, $0x1;
	s1 =	rddreg [dreg:$0x3];
	[sflag:s4] =	ssyncset.done $0x0  }
.LBB2_2:
0x6e: {  	[sflag:s4] =	ssyncadd.s32 $0xFFFF8500  }
0x6f: {  	[tilespmem:s2], [sflag:$0x1] =	stream.linear.gather [hbm4b:s1+s2], $0xA000, $0x38;
	[tilespmem:$0x1E000] =	vst v63  }
0x70: {  	_ = 	snop  }
0x71: {  	[tilespmem:s12], [sflag:$0x2] =	stream.linear.gather [hbm4b:s30+s2], $0xA000, $0x38;
	[tilespmem:$0x1E000] =	vst v63  }
0x72: {  	_ =	swait.ge [sflag:s6], $0xA000  }
0x73: {  	[sflag:s6] =	ssyncset.done $0x0  }
0x74: {  	[sflag:s6] =	ssyncadd.s32 $0xFFFF6000  }
0x75: {  	[tilespmem:s10], [sflag:$0x3] =	stream.linear.gather [hbm4b:s28+s2], $0xA000, $0x38;
	[tilespmem:$0x1E000] =	vst v63  }
0x76: {  	_ = 	snop  }
0x77: {  	[hbm4b:s29+s2] =	stream.linear.scatter [tilespmem:s2], [sflag:$0x4], $0xA000, $0x38;
	[tilespmem:$0x1E000] =	vst v63  }
0x78: {  	_ =	swait.ge [sflag:s19], $0xA000  }
0x79: {  	[sflag:s19] =	ssyncset.done $0x0  }
0x7a: {  	[sflag:s19] =	ssyncadd.s32 $0xFFFF6000  }
0x7b: {  	_ =	swait.ge [sflag:s4], $0xA000  }
0x7c: {  	[sflag:s4] =	ssyncset.done $0x0  }
0x7d: {  	[sflag:s4] =	ssyncadd.s32 $0xFFFF6000  }
0x7e: {  	[tilespmem:s2], [sflag:$0x1] =	stream.linear.gather [hbm4b:s25+s2], $0xA000, $0x38;
	[tilespmem:$0x1E000] =	vst v63  }
0x7f: {  	_ = 	snop  }
0x80: {  	[hbm4b:s26+s2] =	stream.linear.scatter [tilespmem:s12], [sflag:$0x5], $0xA000, $0x38;
	[tilespmem:$0x1E000] =	vst v63  }
0x81: {  	_ =	swait.ge [sflag:s15], $0xA000  }
0x82: {  	[sflag:s15] =	ssyncset.done $0x0  }
0x83: {  	[sflag:s15] =	ssyncadd.s32 $0xFFFF6000  }
0x84: {  	_ =	swait.ge [sflag:s11], $0xA000  }
0x85: {  	[sflag:s11] =	ssyncset.done $0x0  }
0x86: {  	[sflag:s11] =	ssyncadd.s32 $0xFFFF6000  }
0x87: {  	[tilespmem:s12], [sflag:$0x2] =	stream.linear.gather [hbm4b:s23+s2], $0xA000, $0x38;
	[tilespmem:$0x1E000] =	vst v63  }
0x88: {  	_ = 	snop  }
0x89: {  	[hbm4b:s24+s2] =	stream.linear.scatter [tilespmem:s10], [sflag:$0x6], $0xA000, $0x38;
	[tilespmem:$0x1E000] =	vst v63  }
0x8a: {  	_ =	swait.ge [sflag:s6], $0xA000  }
0x8b: {  	[sflag:s6] =	ssyncset.done $0x0  }
0x8c: {  	[sflag:s6] =	ssyncadd.s32 $0xFFFF6000  }
0x8d: {  	_ =	swait.ge [sflag:s9], $0xA000  }
0x8e: {  	[sflag:s9] =	ssyncset.done $0x0  }
0x8f: {  	[sflag:s9] =	ssyncadd.s32 $0xFFFF6000  }
0x90: {  	[tilespmem:s10], [sflag:$0x3] =	stream.linear.gather [hbm4b:s21+s2], $0xA000, $0x38;
	[tilespmem:$0x1E000] =	vst v63  }
0x91: {  	_ = 	snop  }
0x92: {  	[hbm4b:s22+s2] =	stream.linear.scatter [tilespmem:s2], [sflag:$0x4], $0xA000, $0x38;
	[tilespmem:$0x1E000] =	vst v63  }
0x93: {  	_ =	swait.ge [sflag:s19], $0xA000  }
0x94: {  	[sflag:s19] =	ssyncset.done $0x0  }
0x95: {  	[sflag:s19] =	ssyncadd.s32 $0xFFFF6000  }
0x96: {  	_ =	swait.ge [sflag:s4], $0xA000  }
0x97: {  	[sflag:s4] =	ssyncset.done $0x0  }
0x98: {  	[sflag:s4] =	ssyncadd.s32 $0xFFFF6000  }
0x99: {  	[tilespmem:s2], [sflag:$0x1] =	stream.linear.gather [hbm4b:s18+s2], $0xA000, $0x38;
	[tilespmem:$0x1E000] =	vst v63  }
0x9a: {  	_ = 	snop  }
0x9b: {  	[hbm4b:s20+s2] =	stream.linear.scatter [tilespmem:s12], [sflag:$0x5], $0xA000, $0x38;
	[tilespmem:$0x1E000] =	vst v63  }
0x9c: {  	_ =	swait.ge [sflag:s15], $0xA000  }
0x9d: {  	[sflag:s15] =	ssyncset.done $0x0  }
0x9e: {  	[sflag:s15] =	ssyncadd.s32 $0xFFFF6000  }
0x9f: {  	_ =	swait.ge [sflag:s11], $0xA000  }
0xa0: {  	[sflag:s11] =	ssyncset.done $0x0  }
0xa1: {  	[sflag:s11] =	ssyncadd.s32 $0xFFFF6000  }
0xa2: {  	[tilespmem:s12], [sflag:$0x2] =	stream.linear.gather [hbm4b:s16+s2], $0xA000, $0x38;
	[tilespmem:$0x1E000] =	vst v63  }
0xa3: {  	_ = 	snop  }
0xa4: {  	[hbm4b:s17+s2] =	stream.linear.scatter [tilespmem:s10], [sflag:$0x6], $0xA000, $0x38;
	[tilespmem:$0x1E000] =	vst v63  }
0xa5: {  	_ =	swait.ge [sflag:s6], $0xA000  }
0xa6: {  	[sflag:s6] =	ssyncset.done $0x0  }
0xa7: {  	[sflag:s6] =	ssyncadd.s32 $0xFFFF6000  }
0xa8: {  	_ =	swait.ge [sflag:s9], $0xA000  }
0xa9: {  	[sflag:s9] =	ssyncset.done $0x0  }
0xaa: {  	[sflag:s9] =	ssyncadd.s32 $0xFFFF6000  }
0xab: {  	[tilespmem:s10], [sflag:$0x3] =	stream.linear.gather [hbm4b:s13+s2], $0xA000, $0x38;
	[tilespmem:$0x1E000] =	vst v63  }
0xac: {  	_ = 	snop  }
0xad: {  	[hbm4b:s14+s2] =	stream.linear.scatter [tilespmem:s2], [sflag:$0x4], $0xA000, $0x38;
	[tilespmem:$0x1E000] =	vst v63  }
0xae: {  	_ =	swait.ge [sflag:s19], $0xA000  }
0xaf: {  	[sflag:s19] =	ssyncset.done $0x0  }
0xb0: {  	[sflag:s19] =	ssyncadd.s32 $0xFFFF6000  }
0xb1: {  	_ =	swait.ge [sflag:s4], $0xA000  }
0xb2: {  	[sflag:s4] =	ssyncset.done $0x0  }
0xb3: {  	[sflag:s4] =	ssyncadd.s32 $0xFFFF6000  }
0xb4: {  	[tilespmem:s2], [sflag:$0x1] =	stream.linear.gather [hbm4b:s7+s2], $0x7B00, $0x38;
	[tilespmem:$0x1E000] =	vst v63  }
0xb5: {  	_ = 	snop  }
0xb6: {  	[hbm4b:s8+s2] =	stream.linear.scatter [tilespmem:s12], [sflag:$0x5], $0xA000, $0x38;
	[tilespmem:$0x1E000] =	vst v63  }
0xb7: {  	_ =	swait.ge [sflag:s15], $0xA000  }
0xb8: {  	[sflag:s15] =	ssyncset.done $0x0  }
0xb9: {  	[sflag:s15] =	ssyncadd.s32 $0xFFFF6000  }
0xba: {  	[hbm4b:s5+s2] =	stream.linear.scatter [tilespmem:s10], [sflag:$0x6], $0xA000, $0x38;
	[tilespmem:$0x1E000] =	vst v63  }
0xbb: {  	_ =	swait.ge [sflag:s6], $0x7B00  }
0xbc: {  	[sflag:s6] =	ssyncset.done $0x0  }
0xbd: {  	[sflag:s6] =	ssyncadd.s32 $0xFFFF8500  }
0xbe: {  	[hbm4b:s3+s2] =	stream.linear.scatter [tilespmem:s2], [sflag:$0x4], $0x7B00, $0x38;
	[tilespmem:$0x1E000] =	vst v63  }
0xbf: {  	_ =	swait.ge [sflag:s11], $0xA000  }
0xc0: {  	[sflag:s11] =	ssyncset.done $0x0  }
0xc1: {  	p1 =	sne.s32 s31, $0x1;
	[sflag:s11] =	ssyncadd.s32 $0xFFFF6000  }
.Ltmp2:
0xc2: {  	_ =	swait.ge [sflag:s9], $0xA000;
	(pc) =	sbr.rel @p1 .LBB2_2-.Ltmp2, $4  }
0xc3: {  	[sflag:s9] =	ssyncset.done $0x0  }
0xc4: {  	[sflag:s9] =	ssyncadd.s32 $0xFFFF6000  }
0xc5: {  	_ =	swait.ge [sflag:s4], $0x7B00  }
0xc6: {  	s31 =	sadd.s32 $0xFFFFFFFF, s31;
	s1 =	rddreg [dreg:$0x3];
	[sflag:s4] =	ssyncset.done $0x0  }
.LBB2_3:
0xc7: {  	[sflag:s4] =	ssyncadd.s32 @p0 $0xFFFF8500  }
0xc8: {  	[tilespmem:s2], [sflag:$0x1] =	stream.linear.gather [hbm4b:s1+s2], $0xA000, $0x38;
	[tilespmem:$0x1E000] =	vst v63  }
0xc9: {  	_ = 	snop  }
0xca: {  	[tilespmem:s12], [sflag:$0x2] =	stream.linear.gather [hbm4b:s30+s2], $0xA000, $0x38;
	[tilespmem:$0x1E000] =	vst v63  }
0xcb: {  	_ =	swait.ge [sflag:s6], $0xA000  }
0xcc: {  	[sflag:s6] =	ssyncset.done $0x0  }
0xcd: {  	[sflag:s6] =	ssyncadd.s32 $0xFFFF6000  }
0xce: {  	[tilespmem:s10], [sflag:$0x3] =	stream.linear.gather [hbm4b:s28+s2], $0xA000, $0x38;
	[tilespmem:$0x1E000] =	vst v63  }
0xcf: {  	_ = 	snop  }
0xd0: {  	[hbm4b:s29+s2] =	stream.linear.scatter [tilespmem:s2], [sflag:$0x4], $0xA000, $0x38;
	[tilespmem:$0x1E000] =	vst v63  }
0xd1: {  	_ =	swait.ge [sflag:s19], $0xA000  }
0xd2: {  	[sflag:s19] =	ssyncset.done $0x0  }
0xd3: {  	[sflag:s19] =	ssyncadd.s32 $0xFFFF6000  }
0xd4: {  	_ =	swait.ge [sflag:s4], $0xA000  }
0xd5: {  	[sflag:s4] =	ssyncset.done $0x0  }
0xd6: {  	[sflag:s4] =	ssyncadd.s32 $0xFFFF6000  }
0xd7: {  	[tilespmem:s2], [sflag:$0x1] =	stream.linear.gather [hbm4b:s25+s2], $0xA000, $0x38;
	[tilespmem:$0x1E000] =	vst v63  }
0xd8: {  	_ = 	snop  }
0xd9: {  	[hbm4b:s26+s2] =	stream.linear.scatter [tilespmem:s12], [sflag:$0x5], $0xA000, $0x38;
	[tilespmem:$0x1E000] =	vst v63  }
0xda: {  	_ =	swait.ge [sflag:s15], $0xA000  }
0xdb: {  	[sflag:s15] =	ssyncset.done $0x0  }
0xdc: {  	[sflag:s15] =	ssyncadd.s32 $0xFFFF6000  }
0xdd: {  	_ =	swait.ge [sflag:s11], $0xA000  }
0xde: {  	[sflag:s11] =	ssyncset.done $0x0  }
0xdf: {  	[sflag:s11] =	ssyncadd.s32 $0xFFFF6000  }
0xe0: {  	[tilespmem:s12], [sflag:$0x2] =	stream.linear.gather [hbm4b:s23+s2], $0xA000, $0x38;
	[tilespmem:$0x1E000] =	vst v63  }
0xe1: {  	_ = 	snop  }
0xe2: {  	[hbm4b:s24+s2] =	stream.linear.scatter [tilespmem:s10], [sflag:$0x6], $0xA000, $0x38;
	[tilespmem:$0x1E000] =	vst v63  }
0xe3: {  	_ =	swait.ge [sflag:s6], $0xA000  }
0xe4: {  	[sflag:s6] =	ssyncset.done $0x0  }
0xe5: {  	[sflag:s6] =	ssyncadd.s32 $0xFFFF6000  }
0xe6: {  	_ =	swait.ge [sflag:s9], $0xA000  }
0xe7: {  	[sflag:s9] =	ssyncset.done $0x0  }
0xe8: {  	[sflag:s9] =	ssyncadd.s32 $0xFFFF6000  }
0xe9: {  	[tilespmem:s10], [sflag:$0x3] =	stream.linear.gather [hbm4b:s21+s2], $0xA000, $0x38;
	[tilespmem:$0x1E000] =	vst v63  }
0xea: {  	_ = 	snop  }
0xeb: {  	[hbm4b:s22+s2] =	stream.linear.scatter [tilespmem:s2], [sflag:$0x4], $0xA000, $0x38;
	[tilespmem:$0x1E000] =	vst v63  }
0xec: {  	_ =	swait.ge [sflag:s19], $0xA000  }
0xed: {  	[sflag:s19] =	ssyncset.done $0x0  }
0xee: {  	[sflag:s19] =	ssyncadd.s32 $0xFFFF6000  }
0xef: {  	_ =	swait.ge [sflag:s4], $0xA000  }
0xf0: {  	[sflag:s4] =	ssyncset.done $0x0  }
0xf1: {  	[sflag:s4] =	ssyncadd.s32 $0xFFFF6000  }
0xf2: {  	[tilespmem:s2], [sflag:$0x1] =	stream.linear.gather [hbm4b:s18+s2], $0xA000, $0x38;
	[tilespmem:$0x1E000] =	vst v63  }
0xf3: {  	_ = 	snop  }
0xf4: {  	[hbm4b:s20+s2] =	stream.linear.scatter [tilespmem:s12], [sflag:$0x5], $0xA000, $0x38;
	[tilespmem:$0x1E000] =	vst v63  }
0xf5: {  	_ =	swait.ge [sflag:s15], $0xA000  }
0xf6: {  	[sflag:s15] =	ssyncset.done $0x0  }
0xf7: {  	[sflag:s15] =	ssyncadd.s32 $0xFFFF6000  }
0xf8: {  	_ =	swait.ge [sflag:s11], $0xA000  }
0xf9: {  	[sflag:s11] =	ssyncset.done $0x0  }
0xfa: {  	[sflag:s11] =	ssyncadd.s32 $0xFFFF6000  }
0xfb: {  	[tilespmem:s12], [sflag:$0x2] =	stream.linear.gather [hbm4b:s16+s2], $0xA000, $0x38;
	[tilespmem:$0x1E000] =	vst v63  }
0xfc: {  	_ = 	snop  }
0xfd: {  	[hbm4b:s17+s2] =	stream.linear.scatter [tilespmem:s10], [sflag:$0x6], $0xA000, $0x38;
	[tilespmem:$0x1E000] =	vst v63  }
0xfe: {  	_ =	swait.ge [sflag:s6], $0xA000  }
0xff: {  	[sflag:s6] =	ssyncset.done $0x0  }
0x100: {  	[sflag:s6] =	ssyncadd.s32 $0xFFFF6000  }
0x101: {  	_ =	swait.ge [sflag:s9], $0xA000  }
0x102: {  	[sflag:s9] =	ssyncset.done $0x0  }
0x103: {  	[sflag:s9] =	ssyncadd.s32 $0xFFFF6000  }
0x104: {  	[tilespmem:s10], [sflag:$0x3] =	stream.linear.gather [hbm4b:s13+s2], $0xA000, $0x38;
	[tilespmem:$0x1E000] =	vst v63  }
0x105: {  	_ = 	snop  }
0x106: {  	[hbm4b:s14+s2] =	stream.linear.scatter [tilespmem:s2], [sflag:$0x4], $0xA000, $0x38;
	[tilespmem:$0x1E000] =	vst v63  }
0x107: {  	_ =	swait.ge [sflag:s19], $0xA000  }
0x108: {  	[sflag:s19] =	ssyncset.done $0x0  }
0x109: {  	[sflag:s19] =	ssyncadd.s32 $0xFFFF6000  }
0x10a: {  	_ =	swait.ge [sflag:s4], $0xA000  }
0x10b: {  	[sflag:s4] =	ssyncset.done $0x0  }
0x10c: {  	[sflag:s4] =	ssyncadd.s32 $0xFFFF6000  }
0x10d: {  	[tilespmem:s2], [sflag:$0x1] =	stream.linear.gather [hbm4b:s7+s2], $0x7B00, $0x38;
	[tilespmem:$0x1E000] =	vst v63  }
0x10e: {  	_ = 	snop  }
0x10f: {  	[hbm4b:s8+s2] =	stream.linear.scatter [tilespmem:s12], [sflag:$0x5], $0xA000, $0x38;
	[tilespmem:$0x1E000] =	vst v63  }
0x110: {  	_ =	swait.ge [sflag:s15], $0xA000  }
0x111: {  	[sflag:s15] =	ssyncset.done $0x0  }
0x112: {  	[sflag:s15] =	ssyncadd.s32 $0xFFFF6000  }
0x113: {  	[hbm4b:s5+s2] =	stream.linear.scatter [tilespmem:s10], [sflag:$0x6], $0xA000, $0x38;
	[tilespmem:$0x1E000] =	vst v63  }
0x114: {  	_ =	swait.ge [sflag:s6], $0x7B00  }
0x115: {  	[sflag:s6] =	ssyncset.done $0x0  }
0x116: {  	[sflag:s6] =	ssyncadd.s32 $0xFFFF8500  }
0x117: {  	[hbm4b:s3+s2] =	stream.linear.scatter [tilespmem:s2], [sflag:$0x4], $0x7B00, $0x38;
	[tilespmem:$0x1E000] =	vst v63  }
0x118: {  	_ =	swait.ge [sflag:s11], $0xA000  }
0x119: {  	[sflag:s11] =	ssyncset.done $0x0  }
0x11a: {  	[sflag:s11] =	ssyncadd.s32 $0xFFFF6000  }
0x11b: {  	_ =	swait.ge [sflag:s9], $0xA000  }
0x11c: {  	[sflag:s9] =	ssyncset.done $0x0  }
0x11d: {  	[sflag:s9] =	ssyncadd.s32 $0xFFFF6000  }
0x11e: {  	_ =	swait.ge [sflag:s4], $0x7B00  }
0x11f: {  	[sflag:s4] =	ssyncset.done $0x0  }
0x120: {  	[sflag:s4] =	ssyncadd.s32 $0xFFFF8500  }
0x121: {  	_ =	sfence.sel $0x180000  }
0x122: {  	[bflag:$0x0] =	sbarrier.arrive $0xFFFF  }
0x123: {  	_ =	strace $0x90000047  }
0x124: {  	[bflag:$0x2] =	sbarrier.arrive $0xFFFF  }
0x125: {  	p0 =	sne.s32 s0, $0x0;
	s0 =	rddreg [dreg:$0x2]  }
0x126: {  	s0 =	sadd.s32 @!p0 $0x100000, s0  }
0x127: {  	[sflag:s0] =	ssyncadd.tile.s32 @!p0 $0x1;
	_ =	shalt  }
.Lfunc_end2:
_tile_overlayer_lowered:
.L_overlay_start_2:
0x128: {  	(tag) =	ssettag $0x2  }
0x129: {  	s0 =	rddreg [dreg:$0x0];
	s2 =	stileid.u32  }
0x12a: {  	s1 =	rddreg [dreg:$0x1];
	p0 =	sne.s32 s2, $0x0  }
0x12b: {  	s3 =	rddreg [dreg:$0x2];
	[bflag:$0x3] =	sbarrier.arrive $0xFFFF;
	s2 =	simm.s32 @!p0 $0x1C07  }
0x12c: {  	[timem:s3], [sflag:s2] =	dma.local @!p0 [hbm:s0], s1  }
0x12d: {  	s0 =	simm.s32 @!p0 $0x7  }
0x12e: {  	_ =	swait.ge @!p0 [sflag:s0], s1  }
0x12f: {  	s1 =	ssub.s32 @!p0 $0x0, s1;
	[sflag:s0] =	ssyncset.done @!p0 $0x0  }
0x130: {  	[sflag:s0] =	ssyncadd.s32 @!p0 s1  }
0x131: {  	[bflag:$0x3] =	sbarrier.arrive $0xFFFF  }
0x132: {  	_ =	shalt  }

</sc_bundles>
